<compile_context>
chip_gen: v7x
topology: tpu7x:2x2x1
jax: 0.10.2.dev20260603
libtpu: 0.0.44.dev20260713+nightly
codegen_flags: <defaults>
</compile_context>

<pallas_src>
import functools

import jax
import jax.numpy as jnp
from jax import lax
from jax.experimental import pallas as pl
from jax.experimental.pallas import tpu as pltpu
from jax.experimental.pallas import tpu_sc as plsc

N_C = 2
N_S = 16
N_W = N_C * N_S
CH = 128
NBUF = 10
SLK = 3


def _cdiv(a, b):
    return (a + b - 1) // b



@functools.lru_cache(maxsize=None)
def _sc_degree(n_pad, nchunk):
    mesh = plsc.VectorSubcoreMesh(core_axis_name="c", subcore_axis_name="s")
    rp = n_pad // N_S

    @functools.partial(
        pl.kernel,
        out_type=jax.ShapeDtypeStruct((N_C, n_pad, 16), jnp.float32),
        mesh=mesh,
        scratch_types=[
            pltpu.VMEM((nchunk, CH), jnp.int32),
            pltpu.VMEM((CH, 16), jnp.float32),
            pltpu.VMEM_SHARED((n_pad, 16), jnp.float32),
            pltpu.SemaphoreType.DMA,
        ],
        compiler_params=pltpu.CompilerParams(use_tc_tiling_on_sc=False),
    )
    def deg_kernel(dst_hbm, zeros_hbm, ones_hbm, out_hbm, idx_v, ones_v, acc,
                   ssem):
        cid = lax.axis_index("c")
        sid = lax.axis_index("s")
        wid = sid * N_C + cid
        row0 = sid * rp
        pltpu.async_copy(zeros_hbm.at[pl.ds(row0, rp)],
                         acc.at[pl.ds(row0, rp)], ssem)
        pltpu.async_copy(ones_hbm, ones_v, ssem)
        pltpu.async_copy(dst_hbm.at[wid], idx_v, ssem)
        pltpu.make_async_copy(zeros_hbm.at[pl.ds(row0, rp)],
                              acc.at[pl.ds(row0, rp)], ssem).wait()
        pltpu.make_async_copy(ones_hbm, ones_v, ssem).wait()
        pltpu.make_async_copy(dst_hbm.at[wid], idx_v, ssem).wait()
        plsc.subcore_barrier()

        def fire(j, carry):
            pltpu.async_copy(ones_v, acc.at[idx_v.at[j]], ssem, add=True)
            return carry

        lax.fori_loop(0, nchunk, fire, 0)

        def drain(j, carry):
            pltpu.make_async_copy(ones_v, acc.at[idx_v.at[0]], ssem).wait()
            return carry

        lax.fori_loop(0, nchunk, drain, 0)
        plsc.subcore_barrier()
        pltpu.sync_copy(acc.at[pl.ds(row0, rp)],
                        out_hbm.at[cid, pl.ds(row0, rp)])

    return deg_kernel


@functools.lru_cache(maxsize=None)
def _sc_aggregate(n_pad, nchunk, d):
    mesh = plsc.VectorSubcoreMesh(core_axis_name="c", subcore_axis_name="s")
    rp = n_pad // N_S

    @functools.partial(
        pl.kernel,
        out_type=jax.ShapeDtypeStruct((N_C, n_pad, d), jnp.float32),
        mesh=mesh,
        scratch_types=[
            pltpu.VMEM((nchunk, CH), jnp.int32),
            pltpu.VMEM((nchunk, CH), jnp.int32),
            pltpu.VMEM((NBUF, CH, d), jnp.float32),
            pltpu.VMEM_SHARED((n_pad, d), jnp.float32),
            pltpu.VMEM_SHARED((n_pad, d), jnp.float32),
            pltpu.SemaphoreType.DMA,
            pltpu.SemaphoreType.DMA,
        ],
        compiler_params=pltpu.CompilerParams(use_tc_tiling_on_sc=False),
    )
    def agg_kernel(h_hbm, src_hbm, dst_hbm, zeros_hbm, out_hbm,
                   src_v, dst_v, buf, acc, hsh, gsem, ssem):
        cid = lax.axis_index("c")
        sid = lax.axis_index("s")
        wid = sid * N_C + cid
        row0 = sid * rp
        pltpu.async_copy(zeros_hbm.at[pl.ds(row0, rp)],
                         acc.at[pl.ds(row0, rp)], gsem)
        pltpu.async_copy(h_hbm.at[pl.ds(row0, rp)],
                         hsh.at[pl.ds(row0, rp)], gsem)
        pltpu.async_copy(src_hbm.at[wid], src_v, gsem)
        pltpu.async_copy(dst_hbm.at[wid], dst_v, gsem)
        pltpu.make_async_copy(zeros_hbm.at[pl.ds(row0, rp)],
                              acc.at[pl.ds(row0, rp)], gsem).wait()
        pltpu.make_async_copy(h_hbm.at[pl.ds(row0, rp)],
                              hsh.at[pl.ds(row0, rp)], gsem).wait()
        pltpu.make_async_copy(src_hbm.at[wid], src_v, gsem).wait()
        pltpu.make_async_copy(dst_hbm.at[wid], dst_v, gsem).wait()
        plsc.subcore_barrier()

        for b in range(min(NBUF, nchunk)):
            pltpu.async_copy(hsh.at[src_v.at[b]], buf.at[b], gsem)

        def body(j, carry):
            @pl.when(jnp.logical_and(j >= SLK, j + NBUF - SLK < nchunk))
            def _():
                pltpu.make_async_copy(
                    buf.at[0], acc.at[dst_v.at[0]], ssem).wait()
                nxt = j + NBUF - SLK
                pltpu.async_copy(hsh.at[src_v.at[nxt]],
                                 buf.at[lax.rem(nxt, NBUF)], gsem)

            slot = lax.rem(j, NBUF)
            pltpu.make_async_copy(
                hsh.at[src_v.at[j]], buf.at[slot], gsem).wait()
            pltpu.async_copy(buf.at[slot], acc.at[dst_v.at[j]], ssem, add=True)
            return carry

        lax.fori_loop(0, nchunk, body, 0)
        for _ in range(min(NBUF, nchunk)):
            pltpu.make_async_copy(
                buf.at[0], acc.at[dst_v.at[0]], ssem).wait()
        plsc.subcore_barrier()
        pltpu.sync_copy(acc.at[pl.ds(row0, rp)],
                        out_hbm.at[cid, pl.ds(row0, rp)])

    return agg_kernel



def _tc_first(x, degp, w1, n, n_pad):
    def body(x_ref, degp_ref, w1_ref, h_ref, dinv_ref):
        dp = degp_ref[...]
        deg = dp[0, :n, 0:1] + dp[1, :n, 0:1] + 1.0
        dinv = lax.rsqrt(deg)
        dinv_ref[...] = dinv
        h = jnp.dot(x_ref[...], w1_ref[...],
                    preferred_element_type=jnp.float32)
        h_ref[0:n, :] = h * dinv
        h_ref[n:n_pad, :] = jnp.zeros((n_pad - n, h.shape[1]), jnp.float32)

    d = w1.shape[1]
    return pl.pallas_call(
        body,
        out_shape=(jax.ShapeDtypeStruct((n_pad, d), jnp.float32),
                   jax.ShapeDtypeStruct((n, 1), jnp.float32)),
    )(x, degp, w1)


def _tc_mid(aggp, h1, dinv, b1, n):
    def body(aggp_ref, h1_ref, dinv_ref, b1_ref, out_ref):
        ap = aggp_ref[...]
        n_pad = ap.shape[1]
        a = ap[0, :n, :] + ap[1, :n, :] + h1_ref[0:n, :]
        dinv = dinv_ref[...]
        out_ref[0:n, :] = jnp.maximum(a * dinv + b1_ref[...], 0.0) * dinv
        out_ref[n:n_pad, :] = jnp.zeros((n_pad - n, a.shape[1]), jnp.float32)

    d = h1.shape[1]
    return pl.pallas_call(
        body,
        out_shape=jax.ShapeDtypeStruct(aggp.shape[1:], jnp.float32),
    )(aggp, h1, dinv, b1)


def _tc_last(aggp, q, dinv, w2, b2, n):
    def body(aggp_ref, q_ref, dinv_ref, w2_ref, b2_ref, out_ref):
        ap = aggp_ref[...]
        g = (ap[0, :n, :] + ap[1, :n, :] + q_ref[0:n, :]) * dinv_ref[...]
        z = jnp.dot(g, w2_ref[...],
                    preferred_element_type=jnp.float32) + b2_ref[...]
        m = jnp.max(z, axis=1, keepdims=True)
        lse = jnp.log(jnp.sum(jnp.exp(z - m), axis=1, keepdims=True)) + m
        out_ref[...] = z - lse

    d = w2.shape[1]
    return pl.pallas_call(
        body,
        out_shape=jax.ShapeDtypeStruct((n, d), jnp.float32),
    )(aggp, q, dinv, w2, b2)



def kernel(x, edge_index, W1, b1, W2, b2):
    n = x.shape[0]
    e = edge_index.shape[1]
    d1 = W1.shape[1]
    d2 = W2.shape[1]
    n_pad = _cdiv(n + 1, N_S * 8) * N_S * 8
    nchunk = _cdiv(_cdiv(e, N_W), CH)
    e_pad = N_W * nchunk * CH

    ei = edge_index.astype(jnp.int32)
    src = jnp.concatenate(
        [ei[0], jnp.zeros((e_pad - e,), jnp.int32)]).reshape(N_W, nchunk, CH)
    dst = jnp.concatenate(
        [ei[1], jnp.full((e_pad - e,), n, jnp.int32)]).reshape(N_W, nchunk, CH)

    zeros1 = jnp.zeros((n_pad, d1), jnp.float32)
    ones_ch = jnp.ones((CH, 16), jnp.float32)

    degp = _sc_degree(n_pad, nchunk)(dst, jnp.zeros((n_pad, 16), jnp.float32),
                                     ones_ch)
    h1, dinv = _tc_first(x, degp, W1, n, n_pad)
    agg1 = _sc_aggregate(n_pad, nchunk, d1)(h1, src, dst, zeros1)
    q = _tc_mid(agg1, h1, dinv, b1.reshape(1, d1), n)
    agg2 = _sc_aggregate(n_pad, nchunk, d1)(q, src, dst, zeros1)
    return _tc_last(agg2, q, dinv, W2, b2.reshape(1, d2), n)

# --- scband reference (transcript-rebuilt; emitter-appended) ---
"""Pipeline reference for scband-gcn-84799834293080 (READ-ONLY COPY).

The authoritative reference and input builder live on the scoring server;
editing this copy changes nothing except your own understanding.
"""

import jax, jax.numpy as jnp
import numpy as np

N_NODES = 10000
N_EDGES = 320000
D_FEAT = 128
D_HID = 16
N_CLASSES = 40


def setup_inputs(seed: int = 0) -> dict:
    key = jax.random.key(seed)
    k1, k2, k3, k4, k5, k6 = jax.random.split(key, 6)
    x = jax.random.normal(k1, (N_NODES, D_FEAT), dtype=jnp.float32)
    edge_index = jax.random.randint(k2, (2, N_EDGES), 0, N_NODES, dtype=jnp.int64)
    # Glorot-style init for GCNConv weights, zeros for bias (PyG default)
    s1 = float(np.sqrt(6.0 / (D_FEAT + D_HID)))
    s2 = float(np.sqrt(6.0 / (D_HID + N_CLASSES)))
    W1 = jax.random.uniform(k3, (D_FEAT, D_HID), dtype=jnp.float32, minval=-s1, maxval=s1)
    b1 = jnp.zeros((D_HID,), dtype=jnp.float32)
    W2 = jax.random.uniform(k4, (D_HID, N_CLASSES), dtype=jnp.float32, minval=-s2, maxval=s2)
    b2 = jnp.zeros((N_CLASSES,), dtype=jnp.float32)
    return {"x": x, "edge_index": edge_index, "W1": W1, "b1": b1, "W2": W2, "b2": b2}


def _gcn_conv(x, src, dst, W, b, num_nodes):
    # symmetric normalization with self-loops, as in PyG GCNConv defaults
    deg = jnp.zeros((num_nodes,), dtype=x.dtype).at[dst].add(1.0)
    dinv = jnp.where(deg > 0, deg ** -0.5, 0.0)
    norm = dinv[src] * dinv[dst]
    h = x @ W
    msg = h[src] * norm[:, None]
    out = jnp.zeros((num_nodes, W.shape[1]), dtype=x.dtype).at[dst].add(msg)
    return out + b


def reference(x, edge_index, W1, b1, W2, b2):
    num_nodes = x.shape[0]
    loop = jnp.arange(num_nodes, dtype=edge_index.dtype)
    src = jnp.concatenate([edge_index[0], loop])
    dst = jnp.concatenate([edge_index[1], loop])
    h = _gcn_conv(x, src, dst, W1, b1, num_nodes)
    h = jax.nn.relu(h)
    h = _gcn_conv(h, src, dst, W2, b2, num_nodes)
    return jax.nn.log_softmax(h, axis=1)

if __name__ == "__main__":
    import jax
    _d = setup_inputs()
    print(jax.jit(kernel)(*tuple(_d.values())))

</pallas_src>

<mosaic_0001>
#map = affine_map<(d0, d1) -> (0, 0)>
#map1 = affine_map<(d0, d1) -> (0, 0, 0)>
module attributes {stable_mosaic.version = 14 : i64} {
  func.func @agg_kernel(%arg0: i32, %arg1: i32, %arg2: memref<10112x16xf32, #tpu.memory_space<hbm>>, %arg3: memref<32x79x128xi32, #tpu.memory_space<hbm>>, %arg4: memref<32x79x128xi32, #tpu.memory_space<hbm>>, %arg5: memref<10112x16xf32, #tpu.memory_space<hbm>>, %arg6: memref<2x10112x16xf32, #tpu.memory_space<hbm>>, %arg7: memref<79x128xi32, #tpu.memory_space<vmem>>, %arg8: memref<79x128xi32, #tpu.memory_space<vmem>>, %arg9: memref<10x128x16xf32, #tpu.memory_space<vmem>>, %arg10: memref<10112x16xf32, #tpu.memory_space<vmem_shared>>, %arg11: memref<10112x16xf32, #tpu.memory_space<vmem_shared>>, %arg12: memref<!tpu.dma_semaphore, #tpu.memory_space<semaphore_mem>>, %arg13: memref<!tpu.dma_semaphore, #tpu.memory_space<semaphore_mem>>) attributes {dimension_semantics = [#tpu.dimension_semantics<core_parallel>, #tpu.dimension_semantics<subcore_parallel>], iteration_bounds = array<i64: 2, 16>, scalar_prefetch = 0 : i64, scratch_operands = 7 : i64, tpu.core_type = #tpu.core_type<sc_vector_subcore>, window_params = [{transform_indices = #map}, {transform_indices = #map1}, {transform_indices = #map1}, {transform_indices = #map}, {transform_indices = #map1}]} {
    %mul3A = arith.constant 2 : i32
    %mul3A_0 = arith.muli %arg1, %mul3A : i32
    %add3A = arith.addi %mul3A_0, %arg0 : i32
    %mul3A_1 = arith.constant 632 : i32
    %mul3A_2 = arith.muli %arg1, %mul3A_1 : i32
    %dma_start3A = arith.constant 0 : i32
    %dma_start3A_3 = tpu.memref_slice %arg10[%mul3A_2, %dma_start3A] : memref<10112x16xf32, #tpu.memory_space<vmem_shared>> -> memref<632x16xf32, #tpu.memory_space<vmem_shared>>
    %dma_start3A_4 = arith.constant 0 : i32
    %dma_start3A_5 = tpu.memref_slice %arg5[%mul3A_2, %dma_start3A_4] : memref<10112x16xf32, #tpu.memory_space<hbm>> -> memref<632x16xf32, #tpu.memory_space<hbm>>
    tpu.enqueue_dma source(%dma_start3A_5 : memref<632x16xf32, #tpu.memory_space<hbm>>) target(%dma_start3A_3 : memref<632x16xf32, #tpu.memory_space<vmem_shared>>) target_semaphore(%arg12 : memref<!tpu.dma_semaphore, #tpu.memory_space<semaphore_mem>>)
    %dma_start3A_6 = arith.constant 0 : i32
    %dma_start3A_7 = tpu.memref_slice %arg11[%mul3A_2, %dma_start3A_6] : memref<10112x16xf32, #tpu.memory_space<vmem_shared>> -> memref<632x16xf32, #tpu.memory_space<vmem_shared>>
    %dma_start3A_8 = arith.constant 0 : i32
    %dma_start3A_9 = tpu.memref_slice %arg2[%mul3A_2, %dma_start3A_8] : memref<10112x16xf32, #tpu.memory_space<hbm>> -> memref<632x16xf32, #tpu.memory_space<hbm>>
    tpu.enqueue_dma source(%dma_start3A_9 : memref<632x16xf32, #tpu.memory_space<hbm>>) target(%dma_start3A_7 : memref<632x16xf32, #tpu.memory_space<vmem_shared>>) target_semaphore(%arg12 : memref<!tpu.dma_semaphore, #tpu.memory_space<semaphore_mem>>)
    %dma_start3A_10 = arith.constant 0 : i32
    %dma_start3A_11 = arith.constant 0 : i32
    %dma_start3A_12 = tpu.memref_slice %arg3[%add3A, %dma_start3A_10, %dma_start3A_11] : memref<32x79x128xi32, #tpu.memory_space<hbm>> -> memref<1x79x128xi32, #tpu.memory_space<hbm>>
    %dma_start3A_13 = tpu.memref_squeeze %dma_start3A_12 : memref<1x79x128xi32, #tpu.memory_space<hbm>> -> memref<79x128xi32, #tpu.memory_space<hbm>>
    %dma_start3A_14 = arith.constant 0 : i32
    %dma_start3A_15 = arith.constant 0 : i32
    %dma_start3A_16 = tpu.memref_slice %arg3[%add3A, %dma_start3A_14, %dma_start3A_15] : memref<32x79x128xi32, #tpu.memory_space<hbm>> -> memref<1x79x128xi32, #tpu.memory_space<hbm>>
    %dma_start3A_17 = tpu.memref_squeeze %dma_start3A_16 : memref<1x79x128xi32, #tpu.memory_space<hbm>> -> memref<79x128xi32, #tpu.memory_space<hbm>>
    tpu.enqueue_dma source(%dma_start3A_17 : memref<79x128xi32, #tpu.memory_space<hbm>>) target(%arg7 : memref<79x128xi32, #tpu.memory_space<vmem>>) target_semaphore(%arg12 : memref<!tpu.dma_semaphore, #tpu.memory_space<semaphore_mem>>)
    %dma_start3A_18 = arith.constant 0 : i32
    %dma_start3A_19 = arith.constant 0 : i32
    %dma_start3A_20 = tpu.memref_slice %arg4[%add3A, %dma_start3A_18, %dma_start3A_19] : memref<32x79x128xi32, #tpu.memory_space<hbm>> -> memref<1x79x128xi32, #tpu.memory_space<hbm>>
    %dma_start3A_21 = tpu.memref_squeeze %dma_start3A_20 : memref<1x79x128xi32, #tpu.memory_space<hbm>> -> memref<79x128xi32, #tpu.memory_space<hbm>>
    %dma_start3A_22 = arith.constant 0 : i32
    %dma_start3A_23 = arith.constant 0 : i32
    %dma_start3A_24 = tpu.memref_slice %arg4[%add3A, %dma_start3A_22, %dma_start3A_23] : memref<32x79x128xi32, #tpu.memory_space<hbm>> -> memref<1x79x128xi32, #tpu.memory_space<hbm>>
    %dma_start3A_25 = tpu.memref_squeeze %dma_start3A_24 : memref<1x79x128xi32, #tpu.memory_space<hbm>> -> memref<79x128xi32, #tpu.memory_space<hbm>>
    tpu.enqueue_dma source(%dma_start3A_25 : memref<79x128xi32, #tpu.memory_space<hbm>>) target(%arg8 : memref<79x128xi32, #tpu.memory_space<vmem>>) target_semaphore(%arg12 : memref<!tpu.dma_semaphore, #tpu.memory_space<semaphore_mem>>)
    %dma_wait3A = arith.constant 0 : i32
    %dma_wait3A_26 = tpu.memref_slice %arg10[%mul3A_2, %dma_wait3A] : memref<10112x16xf32, #tpu.memory_space<vmem_shared>> -> memref<632x16xf32, #tpu.memory_space<vmem_shared>>
    %dma_wait3A_27 = arith.constant 0 : i32
    %dma_wait3A_28 = tpu.memref_slice %arg5[%mul3A_2, %dma_wait3A_27] : memref<10112x16xf32, #tpu.memory_space<hbm>> -> memref<632x16xf32, #tpu.memory_space<hbm>>
    tpu.wait_dma2 semaphore(%arg12 : memref<!tpu.dma_semaphore, #tpu.memory_space<semaphore_mem>>) src(%dma_wait3A_28 : memref<632x16xf32, #tpu.memory_space<hbm>>) dst(%dma_wait3A_26 : memref<632x16xf32, #tpu.memory_space<vmem_shared>>)
    %dma_wait3A_29 = arith.constant 0 : i32
    %dma_wait3A_30 = tpu.memref_slice %arg11[%mul3A_2, %dma_wait3A_29] : memref<10112x16xf32, #tpu.memory_space<vmem_shared>> -> memref<632x16xf32, #tpu.memory_space<vmem_shared>>
    %dma_wait3A_31 = arith.constant 0 : i32
    %dma_wait3A_32 = tpu.memref_slice %arg2[%mul3A_2, %dma_wait3A_31] : memref<10112x16xf32, #tpu.memory_space<hbm>> -> memref<632x16xf32, #tpu.memory_space<hbm>>
    tpu.wait_dma2 semaphore(%arg12 : memref<!tpu.dma_semaphore, #tpu.memory_space<semaphore_mem>>) src(%dma_wait3A_32 : memref<632x16xf32, #tpu.memory_space<hbm>>) dst(%dma_wait3A_30 : memref<632x16xf32, #tpu.memory_space<vmem_shared>>)
    %dma_wait3A_33 = arith.constant 0 : i32
    %dma_wait3A_34 = arith.constant 0 : i32
    %dma_wait3A_35 = tpu.memref_slice %arg3[%add3A, %dma_wait3A_33, %dma_wait3A_34] : memref<32x79x128xi32, #tpu.memory_space<hbm>> -> memref<1x79x128xi32, #tpu.memory_space<hbm>>
    %dma_wait3A_36 = tpu.memref_squeeze %dma_wait3A_35 : memref<1x79x128xi32, #tpu.memory_space<hbm>> -> memref<79x128xi32, #tpu.memory_space<hbm>>
    %dma_wait3A_37 = arith.constant 0 : i32
    %dma_wait3A_38 = arith.constant 0 : i32
    %dma_wait3A_39 = tpu.memref_slice %arg3[%add3A, %dma_wait3A_37, %dma_wait3A_38] : memref<32x79x128xi32, #tpu.memory_space<hbm>> -> memref<1x79x128xi32, #tpu.memory_space<hbm>>
    %dma_wait3A_40 = tpu.memref_squeeze %dma_wait3A_39 : memref<1x79x128xi32, #tpu.memory_space<hbm>> -> memref<79x128xi32, #tpu.memory_space<hbm>>
    tpu.wait_dma2 semaphore(%arg12 : memref<!tpu.dma_semaphore, #tpu.memory_space<semaphore_mem>>) src(%dma_wait3A_40 : memref<79x128xi32, #tpu.memory_space<hbm>>) dst(%arg7 : memref<79x128xi32, #tpu.memory_space<vmem>>)
    %dma_wait3A_41 = arith.constant 0 : i32
    %dma_wait3A_42 = arith.constant 0 : i32
    %dma_wait3A_43 = tpu.memref_slice %arg4[%add3A, %dma_wait3A_41, %dma_wait3A_42] : memref<32x79x128xi32, #tpu.memory_space<hbm>> -> memref<1x79x128xi32, #tpu.memory_space<hbm>>
    %dma_wait3A_44 = tpu.memref_squeeze %dma_wait3A_43 : memref<1x79x128xi32, #tpu.memory_space<hbm>> -> memref<79x128xi32, #tpu.memory_space<hbm>>
    %dma_wait3A_45 = arith.constant 0 : i32
    %dma_wait3A_46 = arith.constant 0 : i32
    %dma_wait3A_47 = tpu.memref_slice %arg4[%add3A, %dma_wait3A_45, %dma_wait3A_46] : memref<32x79x128xi32, #tpu.memory_space<hbm>> -> memref<1x79x128xi32, #tpu.memory_space<hbm>>
    %dma_wait3A_48 = tpu.memref_squeeze %dma_wait3A_47 : memref<1x79x128xi32, #tpu.memory_space<hbm>> -> memref<79x128xi32, #tpu.memory_space<hbm>>
    tpu.wait_dma2 semaphore(%arg12 : memref<!tpu.dma_semaphore, #tpu.memory_space<semaphore_mem>>) src(%dma_wait3A_48 : memref<79x128xi32, #tpu.memory_space<hbm>>) dst(%arg8 : memref<79x128xi32, #tpu.memory_space<vmem>>)
    %barrier3A = arith.constant 0 : index
    tpu.barrier barrier_id(%barrier3A)
    %dma_start3A_49 = arith.constant 0 : i32
    %dma_start3A_50 = arith.constant 0 : i32
    %dma_start3A_51 = arith.constant 0 : i32
    %dma_start3A_52 = arith.constant 0 : i32
    %dma_start3A_53 = tpu.memref_slice %arg9[%dma_start3A_50, %dma_start3A_51, %dma_start3A_52] : memref<10x128x16xf32, #tpu.memory_space<vmem>> -> memref<1x128x16xf32, #tpu.memory_space<vmem>>
    %dma_start3A_54 = tpu.memref_squeeze %dma_start3A_53 : memref<1x128x16xf32, #tpu.memory_space<vmem>> -> memref<128x16xf32, #tpu.memory_space<vmem>>
    %dma_start3A_55 = arith.constant 0 : i32
    %dma_start3A_56 = tpu.memref_slice %arg7[%dma_start3A_49, %dma_start3A_55] : memref<79x128xi32, #tpu.memory_space<vmem>> -> memref<1x128xi32, #tpu.memory_space<vmem>>
    %dma_start3A_57 = tpu.memref_squeeze %dma_start3A_56 : memref<1x128xi32, #tpu.memory_space<vmem>> -> memref<128xi32, #tpu.memory_space<vmem>>
    %dma_start3A_58 = arith.constant 0 : i32
    %dma_start3A_59 = arith.constant 0 : i32
    %dma_start3A_60 = tpu.memref_slice %arg11[%dma_start3A_58, %dma_start3A_59] : memref<10112x16xf32, #tpu.memory_space<vmem_shared>> -> memref<10112x16xf32, #tpu.memory_space<vmem_shared>>
    tpu.enqueue_indirect_dma source(%dma_start3A_60 : memref<10112x16xf32, #tpu.memory_space<vmem_shared>>) target(%dma_start3A_54 : memref<128x16xf32, #tpu.memory_space<vmem>>) offsets(%dma_start3A_57 : memref<128xi32, #tpu.memory_space<vmem>>) semaphore(%arg12 : memref<!tpu.dma_semaphore, #tpu.memory_space<semaphore_mem>>)
    %dma_start3A_61 = arith.constant 1 : i32
    %dma_start3A_62 = arith.constant 1 : i32
    %dma_start3A_63 = arith.constant 0 : i32
    %dma_start3A_64 = arith.constant 0 : i32
    %dma_start3A_65 = tpu.memref_slice %arg9[%dma_start3A_62, %dma_start3A_63, %dma_start3A_64] : memref<10x128x16xf32, #tpu.memory_space<vmem>> -> memref<1x128x16xf32, #tpu.memory_space<vmem>>
    %dma_start3A_66 = tpu.memref_squeeze %dma_start3A_65 : memref<1x128x16xf32, #tpu.memory_space<vmem>> -> memref<128x16xf32, #tpu.memory_space<vmem>>
    %dma_start3A_67 = arith.constant 0 : i32
    %dma_start3A_68 = tpu.memref_slice %arg7[%dma_start3A_61, %dma_start3A_67] : memref<79x128xi32, #tpu.memory_space<vmem>> -> memref<1x128xi32, #tpu.memory_space<vmem>>
    %dma_start3A_69 = tpu.memref_squeeze %dma_start3A_68 : memref<1x128xi32, #tpu.memory_space<vmem>> -> memref<128xi32, #tpu.memory_space<vmem>>
    %dma_start3A_70 = arith.constant 0 : i32
    %dma_start3A_71 = arith.constant 0 : i32
    %dma_start3A_72 = tpu.memref_slice %arg11[%dma_start3A_70, %dma_start3A_71] : memref<10112x16xf32, #tpu.memory_space<vmem_shared>> -> memref<10112x16xf32, #tpu.memory_space<vmem_shared>>
    tpu.enqueue_indirect_dma source(%dma_start3A_72 : memref<10112x16xf32, #tpu.memory_space<vmem_shared>>) target(%dma_start3A_66 : memref<128x16xf32, #tpu.memory_space<vmem>>) offsets(%dma_start3A_69 : memref<128xi32, #tpu.memory_space<vmem>>) semaphore(%arg12 : memref<!tpu.dma_semaphore, #tpu.memory_space<semaphore_mem>>)
    %dma_start3A_73 = arith.constant 2 : i32
    %dma_start3A_74 = arith.constant 2 : i32
    %dma_start3A_75 = arith.constant 0 : i32
    %dma_start3A_76 = arith.constant 0 : i32
    %dma_start3A_77 = tpu.memref_slice %arg9[%dma_start3A_74, %dma_start3A_75, %dma_start3A_76] : memref<10x128x16xf32, #tpu.memory_space<vmem>> -> memref<1x128x16xf32, #tpu.memory_space<vmem>>
    %dma_start3A_78 = tpu.memref_squeeze %dma_start3A_77 : memref<1x128x16xf32, #tpu.memory_space<vmem>> -> memref<128x16xf32, #tpu.memory_space<vmem>>
    %dma_start3A_79 = arith.constant 0 : i32
    %dma_start3A_80 = tpu.memref_slice %arg7[%dma_start3A_73, %dma_start3A_79] : memref<79x128xi32, #tpu.memory_space<vmem>> -> memref<1x128xi32, #tpu.memory_space<vmem>>
    %dma_start3A_81 = tpu.memref_squeeze %dma_start3A_80 : memref<1x128xi32, #tpu.memory_space<vmem>> -> memref<128xi32, #tpu.memory_space<vmem>>
    %dma_start3A_82 = arith.constant 0 : i32
    %dma_start3A_83 = arith.constant 0 : i32
    %dma_start3A_84 = tpu.memref_slice %arg11[%dma_start3A_82, %dma_start3A_83] : memref<10112x16xf32, #tpu.memory_space<vmem_shared>> -> memref<10112x16xf32, #tpu.memory_space<vmem_shared>>
    tpu.enqueue_indirect_dma source(%dma_start3A_84 : memref<10112x16xf32, #tpu.memory_space<vmem_shared>>) target(%dma_start3A_78 : memref<128x16xf32, #tpu.memory_space<vmem>>) offsets(%dma_start3A_81 : memref<128xi32, #tpu.memory_space<vmem>>) semaphore(%arg12 : memref<!tpu.dma_semaphore, #tpu.memory_space<semaphore_mem>>)
    %dma_start3A_85 = arith.constant 3 : i32
    %dma_start3A_86 = arith.constant 3 : i32
    %dma_start3A_87 = arith.constant 0 : i32
    %dma_start3A_88 = arith.constant 0 : i32
    %dma_start3A_89 = tpu.memref_slice %arg9[%dma_start3A_86, %dma_start3A_87, %dma_start3A_88] : memref<10x128x16xf32, #tpu.memory_space<vmem>> -> memref<1x128x16xf32, #tpu.memory_space<vmem>>
    %dma_start3A_90 = tpu.memref_squeeze %dma_start3A_89 : memref<1x128x16xf32, #tpu.memory_space<vmem>> -> memref<128x16xf32, #tpu.memory_space<vmem>>
    %dma_start3A_91 = arith.constant 0 : i32
    %dma_start3A_92 = tpu.memref_slice %arg7[%dma_start3A_85, %dma_start3A_91] : memref<79x128xi32, #tpu.memory_space<vmem>> -> memref<1x128xi32, #tpu.memory_space<vmem>>
    %dma_start3A_93 = tpu.memref_squeeze %dma_start3A_92 : memref<1x128xi32, #tpu.memory_space<vmem>> -> memref<128xi32, #tpu.memory_space<vmem>>
    %dma_start3A_94 = arith.constant 0 : i32
    %dma_start3A_95 = arith.constant 0 : i32
    %dma_start3A_96 = tpu.memref_slice %arg11[%dma_start3A_94, %dma_start3A_95] : memref<10112x16xf32, #tpu.memory_space<vmem_shared>> -> memref<10112x16xf32, #tpu.memory_space<vmem_shared>>
    tpu.enqueue_indirect_dma source(%dma_start3A_96 : memref<10112x16xf32, #tpu.memory_space<vmem_shared>>) target(%dma_start3A_90 : memref<128x16xf32, #tpu.memory_space<vmem>>) offsets(%dma_start3A_93 : memref<128xi32, #tpu.memory_space<vmem>>) semaphore(%arg12 : memref<!tpu.dma_semaphore, #tpu.memory_space<semaphore_mem>>)
    %dma_start3A_97 = arith.constant 4 : i32
    %dma_start3A_98 = arith.constant 4 : i32
    %dma_start3A_99 = arith.constant 0 : i32
    %dma_start3A_100 = arith.constant 0 : i32
    %dma_start3A_101 = tpu.memref_slice %arg9[%dma_start3A_98, %dma_start3A_99, %dma_start3A_100] : memref<10x128x16xf32, #tpu.memory_space<vmem>> -> memref<1x128x16xf32, #tpu.memory_space<vmem>>
    %dma_start3A_102 = tpu.memref_squeeze %dma_start3A_101 : memref<1x128x16xf32, #tpu.memory_space<vmem>> -> memref<128x16xf32, #tpu.memory_space<vmem>>
    %dma_start3A_103 = arith.constant 0 : i32
    %dma_start3A_104 = tpu.memref_slice %arg7[%dma_start3A_97, %dma_start3A_103] : memref<79x128xi32, #tpu.memory_space<vmem>> -> memref<1x128xi32, #tpu.memory_space<vmem>>
    %dma_start3A_105 = tpu.memref_squeeze %dma_start3A_104 : memref<1x128xi32, #tpu.memory_space<vmem>> -> memref<128xi32, #tpu.memory_space<vmem>>
    %dma_start3A_106 = arith.constant 0 : i32
    %dma_start3A_107 = arith.constant 0 : i32
    %dma_start3A_108 = tpu.memref_slice %arg11[%dma_start3A_106, %dma_start3A_107] : memref<10112x16xf32, #tpu.memory_space<vmem_shared>> -> memref<10112x16xf32, #tpu.memory_space<vmem_shared>>
    tpu.enqueue_indirect_dma source(%dma_start3A_108 : memref<10112x16xf32, #tpu.memory_space<vmem_shared>>) target(%dma_start3A_102 : memref<128x16xf32, #tpu.memory_space<vmem>>) offsets(%dma_start3A_105 : memref<128xi32, #tpu.memory_space<vmem>>) semaphore(%arg12 : memref<!tpu.dma_semaphore, #tpu.memory_space<semaphore_mem>>)
    %dma_start3A_109 = arith.constant 5 : i32
    %dma_start3A_110 = arith.constant 5 : i32
    %dma_start3A_111 = arith.constant 0 : i32
    %dma_start3A_112 = arith.constant 0 : i32
    %dma_start3A_113 = tpu.memref_slice %arg9[%dma_start3A_110, %dma_start3A_111, %dma_start3A_112] : memref<10x128x16xf32, #tpu.memory_space<vmem>> -> memref<1x128x16xf32, #tpu.memory_space<vmem>>
    %dma_start3A_114 = tpu.memref_squeeze %dma_start3A_113 : memref<1x128x16xf32, #tpu.memory_space<vmem>> -> memref<128x16xf32, #tpu.memory_space<vmem>>
    %dma_start3A_115 = arith.constant 0 : i32
    %dma_start3A_116 = tpu.memref_slice %arg7[%dma_start3A_109, %dma_start3A_115] : memref<79x128xi32, #tpu.memory_space<vmem>> -> memref<1x128xi32, #tpu.memory_space<vmem>>
    %dma_start3A_117 = tpu.memref_squeeze %dma_start3A_116 : memref<1x128xi32, #tpu.memory_space<vmem>> -> memref<128xi32, #tpu.memory_space<vmem>>
    %dma_start3A_118 = arith.constant 0 : i32
    %dma_start3A_119 = arith.constant 0 : i32
    %dma_start3A_120 = tpu.memref_slice %arg11[%dma_start3A_118, %dma_start3A_119] : memref<10112x16xf32, #tpu.memory_space<vmem_shared>> -> memref<10112x16xf32, #tpu.memory_space<vmem_shared>>
    tpu.enqueue_indirect_dma source(%dma_start3A_120 : memref<10112x16xf32, #tpu.memory_space<vmem_shared>>) target(%dma_start3A_114 : memref<128x16xf32, #tpu.memory_space<vmem>>) offsets(%dma_start3A_117 : memref<128xi32, #tpu.memory_space<vmem>>) semaphore(%arg12 : memref<!tpu.dma_semaphore, #tpu.memory_space<semaphore_mem>>)
    %dma_start3A_121 = arith.constant 6 : i32
    %dma_start3A_122 = arith.constant 6 : i32
    %dma_start3A_123 = arith.constant 0 : i32
    %dma_start3A_124 = arith.constant 0 : i32
    %dma_start3A_125 = tpu.memref_slice %arg9[%dma_start3A_122, %dma_start3A_123, %dma_start3A_124] : memref<10x128x16xf32, #tpu.memory_space<vmem>> -> memref<1x128x16xf32, #tpu.memory_space<vmem>>
    %dma_start3A_126 = tpu.memref_squeeze %dma_start3A_125 : memref<1x128x16xf32, #tpu.memory_space<vmem>> -> memref<128x16xf32, #tpu.memory_space<vmem>>
    %dma_start3A_127 = arith.constant 0 : i32
    %dma_start3A_128 = tpu.memref_slice %arg7[%dma_start3A_121, %dma_start3A_127] : memref<79x128xi32, #tpu.memory_space<vmem>> -> memref<1x128xi32, #tpu.memory_space<vmem>>
    %dma_start3A_129 = tpu.memref_squeeze %dma_start3A_128 : memref<1x128xi32, #tpu.memory_space<vmem>> -> memref<128xi32, #tpu.memory_space<vmem>>
    %dma_start3A_130 = arith.constant 0 : i32
    %dma_start3A_131 = arith.constant 0 : i32
    %dma_start3A_132 = tpu.memref_slice %arg11[%dma_start3A_130, %dma_start3A_131] : memref<10112x16xf32, #tpu.memory_space<vmem_shared>> -> memref<10112x16xf32, #tpu.memory_space<vmem_shared>>
    tpu.enqueue_indirect_dma source(%dma_start3A_132 : memref<10112x16xf32, #tpu.memory_space<vmem_shared>>) target(%dma_start3A_126 : memref<128x16xf32, #tpu.memory_space<vmem>>) offsets(%dma_start3A_129 : memref<128xi32, #tpu.memory_space<vmem>>) semaphore(%arg12 : memref<!tpu.dma_semaphore, #tpu.memory_space<semaphore_mem>>)
    %dma_start3A_133 = arith.constant 7 : i32
    %dma_start3A_134 = arith.constant 7 : i32
    %dma_start3A_135 = arith.constant 0 : i32
    %dma_start3A_136 = arith.constant 0 : i32
    %dma_start3A_137 = tpu.memref_slice %arg9[%dma_start3A_134, %dma_start3A_135, %dma_start3A_136] : memref<10x128x16xf32, #tpu.memory_space<vmem>> -> memref<1x128x16xf32, #tpu.memory_space<vmem>>
    %dma_start3A_138 = tpu.memref_squeeze %dma_start3A_137 : memref<1x128x16xf32, #tpu.memory_space<vmem>> -> memref<128x16xf32, #tpu.memory_space<vmem>>
    %dma_start3A_139 = arith.constant 0 : i32
    %dma_start3A_140 = tpu.memref_slice %arg7[%dma_start3A_133, %dma_start3A_139] : memref<79x128xi32, #tpu.memory_space<vmem>> -> memref<1x128xi32, #tpu.memory_space<vmem>>
    %dma_start3A_141 = tpu.memref_squeeze %dma_start3A_140 : memref<1x128xi32, #tpu.memory_space<vmem>> -> memref<128xi32, #tpu.memory_space<vmem>>
    %dma_start3A_142 = arith.constant 0 : i32
    %dma_start3A_143 = arith.constant 0 : i32
    %dma_start3A_144 = tpu.memref_slice %arg11[%dma_start3A_142, %dma_start3A_143] : memref<10112x16xf32, #tpu.memory_space<vmem_shared>> -> memref<10112x16xf32, #tpu.memory_space<vmem_shared>>
    tpu.enqueue_indirect_dma source(%dma_start3A_144 : memref<10112x16xf32, #tpu.memory_space<vmem_shared>>) target(%dma_start3A_138 : memref<128x16xf32, #tpu.memory_space<vmem>>) offsets(%dma_start3A_141 : memref<128xi32, #tpu.memory_space<vmem>>) semaphore(%arg12 : memref<!tpu.dma_semaphore, #tpu.memory_space<semaphore_mem>>)
    %dma_start3A_145 = arith.constant 8 : i32
    %dma_start3A_146 = arith.constant 8 : i32
    %dma_start3A_147 = arith.constant 0 : i32
    %dma_start3A_148 = arith.constant 0 : i32
    %dma_start3A_149 = tpu.memref_slice %arg9[%dma_start3A_146, %dma_start3A_147, %dma_start3A_148] : memref<10x128x16xf32, #tpu.memory_space<vmem>> -> memref<1x128x16xf32, #tpu.memory_space<vmem>>
    %dma_start3A_150 = tpu.memref_squeeze %dma_start3A_149 : memref<1x128x16xf32, #tpu.memory_space<vmem>> -> memref<128x16xf32, #tpu.memory_space<vmem>>
    %dma_start3A_151 = arith.constant 0 : i32
    %dma_start3A_152 = tpu.memref_slice %arg7[%dma_start3A_145, %dma_start3A_151] : memref<79x128xi32, #tpu.memory_space<vmem>> -> memref<1x128xi32, #tpu.memory_space<vmem>>
    %dma_start3A_153 = tpu.memref_squeeze %dma_start3A_152 : memref<1x128xi32, #tpu.memory_space<vmem>> -> memref<128xi32, #tpu.memory_space<vmem>>
    %dma_start3A_154 = arith.constant 0 : i32
    %dma_start3A_155 = arith.constant 0 : i32
    %dma_start3A_156 = tpu.memref_slice %arg11[%dma_start3A_154, %dma_start3A_155] : memref<10112x16xf32, #tpu.memory_space<vmem_shared>> -> memref<10112x16xf32, #tpu.memory_space<vmem_shared>>
    tpu.enqueue_indirect_dma source(%dma_start3A_156 : memref<10112x16xf32, #tpu.memory_space<vmem_shared>>) target(%dma_start3A_150 : memref<128x16xf32, #tpu.memory_space<vmem>>) offsets(%dma_start3A_153 : memref<128xi32, #tpu.memory_space<vmem>>) semaphore(%arg12 : memref<!tpu.dma_semaphore, #tpu.memory_space<semaphore_mem>>)
    %dma_start3A_157 = arith.constant 9 : i32
    %dma_start3A_158 = arith.constant 9 : i32
    %dma_start3A_159 = arith.constant 0 : i32
    %dma_start3A_160 = arith.constant 0 : i32
    %dma_start3A_161 = tpu.memref_slice %arg9[%dma_start3A_158, %dma_start3A_159, %dma_start3A_160] : memref<10x128x16xf32, #tpu.memory_space<vmem>> -> memref<1x128x16xf32, #tpu.memory_space<vmem>>
    %dma_start3A_162 = tpu.memref_squeeze %dma_start3A_161 : memref<1x128x16xf32, #tpu.memory_space<vmem>> -> memref<128x16xf32, #tpu.memory_space<vmem>>
    %dma_start3A_163 = arith.constant 0 : i32
    %dma_start3A_164 = tpu.memref_slice %arg7[%dma_start3A_157, %dma_start3A_163] : memref<79x128xi32, #tpu.memory_space<vmem>> -> memref<1x128xi32, #tpu.memory_space<vmem>>
    %dma_start3A_165 = tpu.memref_squeeze %dma_start3A_164 : memref<1x128xi32, #tpu.memory_space<vmem>> -> memref<128xi32, #tpu.memory_space<vmem>>
    %dma_start3A_166 = arith.constant 0 : i32
    %dma_start3A_167 = arith.constant 0 : i32
    %dma_start3A_168 = tpu.memref_slice %arg11[%dma_start3A_166, %dma_start3A_167] : memref<10112x16xf32, #tpu.memory_space<vmem_shared>> -> memref<10112x16xf32, #tpu.memory_space<vmem_shared>>
    tpu.enqueue_indirect_dma source(%dma_start3A_168 : memref<10112x16xf32, #tpu.memory_space<vmem_shared>>) target(%dma_start3A_162 : memref<128x16xf32, #tpu.memory_space<vmem>>) offsets(%dma_start3A_165 : memref<128xi32, #tpu.memory_space<vmem>>) semaphore(%arg12 : memref<!tpu.dma_semaphore, #tpu.memory_space<semaphore_mem>>)
    %scan3A = arith.constant 0 : i32
    %scan3A_169 = arith.constant 0 : i32
    %scan3A_170 = arith.constant 79 : i32
    %scan3A_171 = arith.addi %scan3A_169, %scan3A_170 : i32
    %scan3A_172 = arith.constant 1 : i32
    scf.for %scan3A_295 = %scan3A_169 to %scan3A_171 step %scan3A_172  : i32 {
      %ge3A = arith.constant 3 : i32
      %ge3A_296 = arith.cmpi sge, %scan3A_295, %ge3A : i32
      %add3A_297 = arith.constant 10 : i32
      %add3A_298 = arith.addi %scan3A_295, %add3A_297 : i32
      %sub3A = arith.constant 3 : i32
      %sub3A_299 = arith.subi %add3A_298, %sub3A : i32
      %lt3A = arith.constant 79 : i32
      %lt3A_300 = arith.cmpi slt, %sub3A_299, %lt3A : i32
      %and3A = arith.andi %ge3A_296, %lt3A_300 : i1
      %convert_element_type3A = arith.extui %and3A : i1 to i32
      %cond3A = arith.constant 0 : i32
      %cond3A_301 = arith.cmpi ne, %convert_element_type3A, %cond3A : i32
      scf.if %cond3A_301 {
        %dma_wait3A_323 = arith.constant 0 : i32
        %dma_wait3A_324 = arith.constant 0 : i32
        %dma_wait3A_325 = arith.constant 0 : i32
        %dma_wait3A_326 = arith.constant 0 : i32
        %dma_wait3A_327 = tpu.memref_slice %arg9[%dma_wait3A_323, %dma_wait3A_325, %dma_wait3A_326] : memref<10x128x16xf32, #tpu.memory_space<vmem>> -> memref<1x128x16xf32, #tpu.memory_space<vmem>>
        %dma_wait3A_328 = tpu.memref_squeeze %dma_wait3A_327 : memref<1x128x16xf32, #tpu.memory_space<vmem>> -> memref<128x16xf32, #tpu.memory_space<vmem>>
        %dma_wait3A_329 = arith.constant 0 : i32
        %dma_wait3A_330 = tpu.memref_slice %arg8[%dma_wait3A_324, %dma_wait3A_329] : memref<79x128xi32, #tpu.memory_space<vmem>> -> memref<1x128xi32, #tpu.memory_space<vmem>>
        %dma_wait3A_331 = tpu.memref_squeeze %dma_wait3A_330 : memref<1x128xi32, #tpu.memory_space<vmem>> -> memref<128xi32, #tpu.memory_space<vmem>>
        %dma_wait3A_332 = arith.constant 0 : i32
        %dma_wait3A_333 = arith.constant 0 : i32
        %dma_wait3A_334 = tpu.memref_slice %arg10[%dma_wait3A_332, %dma_wait3A_333] : memref<10112x16xf32, #tpu.memory_space<vmem_shared>> -> memref<10112x16xf32, #tpu.memory_space<vmem_shared>>
        tpu.wait_indirect_dma semaphore(%arg13 : memref<!tpu.dma_semaphore, #tpu.memory_space<semaphore_mem>>) src(%dma_wait3A_328 : memref<128x16xf32, #tpu.memory_space<vmem>>) dst(%dma_wait3A_334 : memref<10112x16xf32, #tpu.memory_space<vmem_shared>>)
        %add3A_335 = arith.constant 10 : i32
        %add3A_336 = arith.addi %scan3A_295, %add3A_335 : i32
        %sub3A_337 = arith.constant 3 : i32
        %sub3A_338 = arith.subi %add3A_336, %sub3A_337 : i32
        %rem3A_339 = arith.constant 10 : i32
        %rem3A_340 = arith.remsi %sub3A_338, %rem3A_339 : i32
        %dma_start3A_341 = arith.constant 0 : i32
        %dma_start3A_342 = arith.constant 0 : i32
        %dma_start3A_343 = tpu.memref_slice %arg9[%rem3A_340, %dma_start3A_341, %dma_start3A_342] : memref<10x128x16xf32, #tpu.memory_space<vmem>> -> memref<1x128x16xf32, #tpu.memory_space<vmem>>
        %dma_start3A_344 = tpu.memref_squeeze %dma_start3A_343 : memref<1x128x16xf32, #tpu.memory_space<vmem>> -> memref<128x16xf32, #tpu.memory_space<vmem>>
        %dma_start3A_345 = arith.constant 0 : i32
        %dma_start3A_346 = tpu.memref_slice %arg7[%sub3A_338, %dma_start3A_345] : memref<79x128xi32, #tpu.memory_space<vmem>> -> memref<1x128xi32, #tpu.memory_space<vmem>>
        %dma_start3A_347 = tpu.memref_squeeze %dma_start3A_346 : memref<1x128xi32, #tpu.memory_space<vmem>> -> memref<128xi32, #tpu.memory_space<vmem>>
        %dma_start3A_348 = arith.constant 0 : i32
        %dma_start3A_349 = arith.constant 0 : i32
        %dma_start3A_350 = tpu.memref_slice %arg11[%dma_start3A_348, %dma_start3A_349] : memref<10112x16xf32, #tpu.memory_space<vmem_shared>> -> memref<10112x16xf32, #tpu.memory_space<vmem_shared>>
        tpu.enqueue_indirect_dma source(%dma_start3A_350 : memref<10112x16xf32, #tpu.memory_space<vmem_shared>>) target(%dma_start3A_344 : memref<128x16xf32, #tpu.memory_space<vmem>>) offsets(%dma_start3A_347 : memref<128xi32, #tpu.memory_space<vmem>>) semaphore(%arg12 : memref<!tpu.dma_semaphore, #tpu.memory_space<semaphore_mem>>)
      } else {
      }
      %rem3A = arith.constant 10 : i32
      %rem3A_302 = arith.remsi %scan3A_295, %rem3A : i32
      %dma_wait3A_303 = arith.constant 0 : i32
      %dma_wait3A_304 = arith.constant 0 : i32
      %dma_wait3A_305 = tpu.memref_slice %arg9[%rem3A_302, %dma_wait3A_303, %dma_wait3A_304] : memref<10x128x16xf32, #tpu.memory_space<vmem>> -> memref<1x128x16xf32, #tpu.memory_space<vmem>>
      %dma_wait3A_306 = tpu.memref_squeeze %dma_wait3A_305 : memref<1x128x16xf32, #tpu.memory_space<vmem>> -> memref<128x16xf32, #tpu.memory_space<vmem>>
      %dma_wait3A_307 = arith.constant 0 : i32
      %dma_wait3A_308 = tpu.memref_slice %arg7[%scan3A_295, %dma_wait3A_307] : memref<79x128xi32, #tpu.memory_space<vmem>> -> memref<1x128xi32, #tpu.memory_space<vmem>>
      %dma_wait3A_309 = tpu.memref_squeeze %dma_wait3A_308 : memref<1x128xi32, #tpu.memory_space<vmem>> -> memref<128xi32, #tpu.memory_space<vmem>>
      %dma_wait3A_310 = arith.constant 0 : i32
      %dma_wait3A_311 = arith.constant 0 : i32
      %dma_wait3A_312 = tpu.memref_slice %arg11[%dma_wait3A_310, %dma_wait3A_311] : memref<10112x16xf32, #tpu.memory_space<vmem_shared>> -> memref<10112x16xf32, #tpu.memory_space<vmem_shared>>
      tpu.wait_indirect_dma semaphore(%arg12 : memref<!tpu.dma_semaphore, #tpu.memory_space<semaphore_mem>>) src(%dma_wait3A_312 : memref<10112x16xf32, #tpu.memory_space<vmem_shared>>) dst(%dma_wait3A_306 : memref<128x16xf32, #tpu.memory_space<vmem>>)
      %dma_start3A_313 = arith.constant 0 : i32
      %dma_start3A_314 = arith.constant 0 : i32
      %dma_start3A_315 = tpu.memref_slice %arg9[%rem3A_302, %dma_start3A_313, %dma_start3A_314] : memref<10x128x16xf32, #tpu.memory_space<vmem>> -> memref<1x128x16xf32, #tpu.memory_space<vmem>>
      %dma_start3A_316 = tpu.memref_squeeze %dma_start3A_315 : memref<1x128x16xf32, #tpu.memory_space<vmem>> -> memref<128x16xf32, #tpu.memory_space<vmem>>
      %dma_start3A_317 = arith.constant 0 : i32
      %dma_start3A_318 = tpu.memref_slice %arg8[%scan3A_295, %dma_start3A_317] : memref<79x128xi32, #tpu.memory_space<vmem>> -> memref<1x128xi32, #tpu.memory_space<vmem>>
      %dma_start3A_319 = tpu.memref_squeeze %dma_start3A_318 : memref<1x128xi32, #tpu.memory_space<vmem>> -> memref<128xi32, #tpu.memory_space<vmem>>
      %dma_start3A_320 = arith.constant 0 : i32
      %dma_start3A_321 = arith.constant 0 : i32
      %dma_start3A_322 = tpu.memref_slice %arg10[%dma_start3A_320, %dma_start3A_321] : memref<10112x16xf32, #tpu.memory_space<vmem_shared>> -> memref<10112x16xf32, #tpu.memory_space<vmem_shared>>
      tpu.enqueue_indirect_dma source(%dma_start3A_316 : memref<128x16xf32, #tpu.memory_space<vmem>>) target(%dma_start3A_322 : memref<10112x16xf32, #tpu.memory_space<vmem_shared>>) offsets(%dma_start3A_319 : memref<128xi32, #tpu.memory_space<vmem>>) semaphore(%arg13 : memref<!tpu.dma_semaphore, #tpu.memory_space<semaphore_mem>>) {add = true}
    }
    %scan3A_173 = arith.constant 79 : i32
    %dma_wait3A_174 = arith.constant 0 : i32
    %dma_wait3A_175 = arith.constant 0 : i32
    %dma_wait3A_176 = arith.constant 0 : i32
    %dma_wait3A_177 = arith.constant 0 : i32
    %dma_wait3A_178 = tpu.memref_slice %arg9[%dma_wait3A_174, %dma_wait3A_176, %dma_wait3A_177] : memref<10x128x16xf32, #tpu.memory_space<vmem>> -> memref<1x128x16xf32, #tpu.memory_space<vmem>>
    %dma_wait3A_179 = tpu.memref_squeeze %dma_wait3A_178 : memref<1x128x16xf32, #tpu.memory_space<vmem>> -> memref<128x16xf32, #tpu.memory_space<vmem>>
    %dma_wait3A_180 = arith.constant 0 : i32
    %dma_wait3A_181 = tpu.memref_slice %arg8[%dma_wait3A_175, %dma_wait3A_180] : memref<79x128xi32, #tpu.memory_space<vmem>> -> memref<1x128xi32, #tpu.memory_space<vmem>>
    %dma_wait3A_182 = tpu.memref_squeeze %dma_wait3A_181 : memref<1x128xi32, #tpu.memory_space<vmem>> -> memref<128xi32, #tpu.memory_space<vmem>>
    %dma_wait3A_183 = arith.constant 0 : i32
    %dma_wait3A_184 = arith.constant 0 : i32
    %dma_wait3A_185 = tpu.memref_slice %arg10[%dma_wait3A_183, %dma_wait3A_184] : memref<10112x16xf32, #tpu.memory_space<vmem_shared>> -> memref<10112x16xf32, #tpu.memory_space<vmem_shared>>
    tpu.wait_indirect_dma semaphore(%arg13 : memref<!tpu.dma_semaphore, #tpu.memory_space<semaphore_mem>>) src(%dma_wait3A_179 : memref<128x16xf32, #tpu.memory_space<vmem>>) dst(%dma_wait3A_185 : memref<10112x16xf32, #tpu.memory_space<vmem_shared>>)
    %dma_wait3A_186 = arith.constant 0 : i32
    %dma_wait3A_187 = arith.constant 0 : i32
    %dma_wait3A_188 = arith.constant 0 : i32
    %dma_wait3A_189 = arith.constant 0 : i32
    %dma_wait3A_190 = tpu.memref_slice %arg9[%dma_wait3A_186, %dma_wait3A_188, %dma_wait3A_189] : memref<10x128x16xf32, #tpu.memory_space<vmem>> -> memref<1x128x16xf32, #tpu.memory_space<vmem>>
    %dma_wait3A_191 = tpu.memref_squeeze %dma_wait3A_190 : memref<1x128x16xf32, #tpu.memory_space<vmem>> -> memref<128x16xf32, #tpu.memory_space<vmem>>
    %dma_wait3A_192 = arith.constant 0 : i32
    %dma_wait3A_193 = tpu.memref_slice %arg8[%dma_wait3A_187, %dma_wait3A_192] : memref<79x128xi32, #tpu.memory_space<vmem>> -> memref<1x128xi32, #tpu.memory_space<vmem>>
    %dma_wait3A_194 = tpu.memref_squeeze %dma_wait3A_193 : memref<1x128xi32, #tpu.memory_space<vmem>> -> memref<128xi32, #tpu.memory_space<vmem>>
    %dma_wait3A_195 = arith.constant 0 : i32
    %dma_wait3A_196 = arith.constant 0 : i32
    %dma_wait3A_197 = tpu.memref_slice %arg10[%dma_wait3A_195, %dma_wait3A_196] : memref<10112x16xf32, #tpu.memory_space<vmem_shared>> -> memref<10112x16xf32, #tpu.memory_space<vmem_shared>>
    tpu.wait_indirect_dma semaphore(%arg13 : memref<!tpu.dma_semaphore, #tpu.memory_space<semaphore_mem>>) src(%dma_wait3A_191 : memref<128x16xf32, #tpu.memory_space<vmem>>) dst(%dma_wait3A_197 : memref<10112x16xf32, #tpu.memory_space<vmem_shared>>)
    %dma_wait3A_198 = arith.constant 0 : i32
    %dma_wait3A_199 = arith.constant 0 : i32
    %dma_wait3A_200 = arith.constant 0 : i32
    %dma_wait3A_201 = arith.constant 0 : i32
    %dma_wait3A_202 = tpu.memref_slice %arg9[%dma_wait3A_198, %dma_wait3A_200, %dma_wait3A_201] : memref<10x128x16xf32, #tpu.memory_space<vmem>> -> memref<1x128x16xf32, #tpu.memory_space<vmem>>
    %dma_wait3A_203 = tpu.memref_squeeze %dma_wait3A_202 : memref<1x128x16xf32, #tpu.memory_space<vmem>> -> memref<128x16xf32, #tpu.memory_space<vmem>>
    %dma_wait3A_204 = arith.constant 0 : i32
    %dma_wait3A_205 = tpu.memref_slice %arg8[%dma_wait3A_199, %dma_wait3A_204] : memref<79x128xi32, #tpu.memory_space<vmem>> -> memref<1x128xi32, #tpu.memory_space<vmem>>
    %dma_wait3A_206 = tpu.memref_squeeze %dma_wait3A_205 : memref<1x128xi32, #tpu.memory_space<vmem>> -> memref<128xi32, #tpu.memory_space<vmem>>
    %dma_wait3A_207 = arith.constant 0 : i32
    %dma_wait3A_208 = arith.constant 0 : i32
    %dma_wait3A_209 = tpu.memref_slice %arg10[%dma_wait3A_207, %dma_wait3A_208] : memref<10112x16xf32, #tpu.memory_space<vmem_shared>> -> memref<10112x16xf32, #tpu.memory_space<vmem_shared>>
    tpu.wait_indirect_dma semaphore(%arg13 : memref<!tpu.dma_semaphore, #tpu.memory_space<semaphore_mem>>) src(%dma_wait3A_203 : memref<128x16xf32, #tpu.memory_space<vmem>>) dst(%dma_wait3A_209 : memref<10112x16xf32, #tpu.memory_space<vmem_shared>>)
    %dma_wait3A_210 = arith.constant 0 : i32
    %dma_wait3A_211 = arith.constant 0 : i32
    %dma_wait3A_212 = arith.constant 0 : i32
    %dma_wait3A_213 = arith.constant 0 : i32
    %dma_wait3A_214 = tpu.memref_slice %arg9[%dma_wait3A_210, %dma_wait3A_212, %dma_wait3A_213] : memref<10x128x16xf32, #tpu.memory_space<vmem>> -> memref<1x128x16xf32, #tpu.memory_space<vmem>>
    %dma_wait3A_215 = tpu.memref_squeeze %dma_wait3A_214 : memref<1x128x16xf32, #tpu.memory_space<vmem>> -> memref<128x16xf32, #tpu.memory_space<vmem>>
    %dma_wait3A_216 = arith.constant 0 : i32
    %dma_wait3A_217 = tpu.memref_slice %arg8[%dma_wait3A_211, %dma_wait3A_216] : memref<79x128xi32, #tpu.memory_space<vmem>> -> memref<1x128xi32, #tpu.memory_space<vmem>>
    %dma_wait3A_218 = tpu.memref_squeeze %dma_wait3A_217 : memref<1x128xi32, #tpu.memory_space<vmem>> -> memref<128xi32, #tpu.memory_space<vmem>>
    %dma_wait3A_219 = arith.constant 0 : i32
    %dma_wait3A_220 = arith.constant 0 : i32
    %dma_wait3A_221 = tpu.memref_slice %arg10[%dma_wait3A_219, %dma_wait3A_220] : memref<10112x16xf32, #tpu.memory_space<vmem_shared>> -> memref<10112x16xf32, #tpu.memory_space<vmem_shared>>
    tpu.wait_indirect_dma semaphore(%arg13 : memref<!tpu.dma_semaphore, #tpu.memory_space<semaphore_mem>>) src(%dma_wait3A_215 : memref<128x16xf32, #tpu.memory_space<vmem>>) dst(%dma_wait3A_221 : memref<10112x16xf32, #tpu.memory_space<vmem_shared>>)
    %dma_wait3A_222 = arith.constant 0 : i32
    %dma_wait3A_223 = arith.constant 0 : i32
    %dma_wait3A_224 = arith.constant 0 : i32
    %dma_wait3A_225 = arith.constant 0 : i32
    %dma_wait3A_226 = tpu.memref_slice %arg9[%dma_wait3A_222, %dma_wait3A_224, %dma_wait3A_225] : memref<10x128x16xf32, #tpu.memory_space<vmem>> -> memref<1x128x16xf32, #tpu.memory_space<vmem>>
    %dma_wait3A_227 = tpu.memref_squeeze %dma_wait3A_226 : memref<1x128x16xf32, #tpu.memory_space<vmem>> -> memref<128x16xf32, #tpu.memory_space<vmem>>
    %dma_wait3A_228 = arith.constant 0 : i32
    %dma_wait3A_229 = tpu.memref_slice %arg8[%dma_wait3A_223, %dma_wait3A_228] : memref<79x128xi32, #tpu.memory_space<vmem>> -> memref<1x128xi32, #tpu.memory_space<vmem>>
    %dma_wait3A_230 = tpu.memref_squeeze %dma_wait3A_229 : memref<1x128xi32, #tpu.memory_space<vmem>> -> memref<128xi32, #tpu.memory_space<vmem>>
    %dma_wait3A_231 = arith.constant 0 : i32
    %dma_wait3A_232 = arith.constant 0 : i32
    %dma_wait3A_233 = tpu.memref_slice %arg10[%dma_wait3A_231, %dma_wait3A_232] : memref<10112x16xf32, #tpu.memory_space<vmem_shared>> -> memref<10112x16xf32, #tpu.memory_space<vmem_shared>>
    tpu.wait_indirect_dma semaphore(%arg13 : memref<!tpu.dma_semaphore, #tpu.memory_space<semaphore_mem>>) src(%dma_wait3A_227 : memref<128x16xf32, #tpu.memory_space<vmem>>) dst(%dma_wait3A_233 : memref<10112x16xf32, #tpu.memory_space<vmem_shared>>)
    %dma_wait3A_234 = arith.constant 0 : i32
    %dma_wait3A_235 = arith.constant 0 : i32
    %dma_wait3A_236 = arith.constant 0 : i32
    %dma_wait3A_237 = arith.constant 0 : i32
    %dma_wait3A_238 = tpu.memref_slice %arg9[%dma_wait3A_234, %dma_wait3A_236, %dma_wait3A_237] : memref<10x128x16xf32, #tpu.memory_space<vmem>> -> memref<1x128x16xf32, #tpu.memory_space<vmem>>
    %dma_wait3A_239 = tpu.memref_squeeze %dma_wait3A_238 : memref<1x128x16xf32, #tpu.memory_space<vmem>> -> memref<128x16xf32, #tpu.memory_space<vmem>>
    %dma_wait3A_240 = arith.constant 0 : i32
    %dma_wait3A_241 = tpu.memref_slice %arg8[%dma_wait3A_235, %dma_wait3A_240] : memref<79x128xi32, #tpu.memory_space<vmem>> -> memref<1x128xi32, #tpu.memory_space<vmem>>
    %dma_wait3A_242 = tpu.memref_squeeze %dma_wait3A_241 : memref<1x128xi32, #tpu.memory_space<vmem>> -> memref<128xi32, #tpu.memory_space<vmem>>
    %dma_wait3A_243 = arith.constant 0 : i32
    %dma_wait3A_244 = arith.constant 0 : i32
    %dma_wait3A_245 = tpu.memref_slice %arg10[%dma_wait3A_243, %dma_wait3A_244] : memref<10112x16xf32, #tpu.memory_space<vmem_shared>> -> memref<10112x16xf32, #tpu.memory_space<vmem_shared>>
    tpu.wait_indirect_dma semaphore(%arg13 : memref<!tpu.dma_semaphore, #tpu.memory_space<semaphore_mem>>) src(%dma_wait3A_239 : memref<128x16xf32, #tpu.memory_space<vmem>>) dst(%dma_wait3A_245 : memref<10112x16xf32, #tpu.memory_space<vmem_shared>>)
    %dma_wait3A_246 = arith.constant 0 : i32
    %dma_wait3A_247 = arith.constant 0 : i32
    %dma_wait3A_248 = arith.constant 0 : i32
    %dma_wait3A_249 = arith.constant 0 : i32
    %dma_wait3A_250 = tpu.memref_slice %arg9[%dma_wait3A_246, %dma_wait3A_248, %dma_wait3A_249] : memref<10x128x16xf32, #tpu.memory_space<vmem>> -> memref<1x128x16xf32, #tpu.memory_space<vmem>>
    %dma_wait3A_251 = tpu.memref_squeeze %dma_wait3A_250 : memref<1x128x16xf32, #tpu.memory_space<vmem>> -> memref<128x16xf32, #tpu.memory_space<vmem>>
    %dma_wait3A_252 = arith.constant 0 : i32
    %dma_wait3A_253 = tpu.memref_slice %arg8[%dma_wait3A_247, %dma_wait3A_252] : memref<79x128xi32, #tpu.memory_space<vmem>> -> memref<1x128xi32, #tpu.memory_space<vmem>>
    %dma_wait3A_254 = tpu.memref_squeeze %dma_wait3A_253 : memref<1x128xi32, #tpu.memory_space<vmem>> -> memref<128xi32, #tpu.memory_space<vmem>>
    %dma_wait3A_255 = arith.constant 0 : i32
    %dma_wait3A_256 = arith.constant 0 : i32
    %dma_wait3A_257 = tpu.memref_slice %arg10[%dma_wait3A_255, %dma_wait3A_256] : memref<10112x16xf32, #tpu.memory_space<vmem_shared>> -> memref<10112x16xf32, #tpu.memory_space<vmem_shared>>
    tpu.wait_indirect_dma semaphore(%arg13 : memref<!tpu.dma_semaphore, #tpu.memory_space<semaphore_mem>>) src(%dma_wait3A_251 : memref<128x16xf32, #tpu.memory_space<vmem>>) dst(%dma_wait3A_257 : memref<10112x16xf32, #tpu.memory_space<vmem_shared>>)
    %dma_wait3A_258 = arith.constant 0 : i32
    %dma_wait3A_259 = arith.constant 0 : i32
    %dma_wait3A_260 = arith.constant 0 : i32
    %dma_wait3A_261 = arith.constant 0 : i32
    %dma_wait3A_262 = tpu.memref_slice %arg9[%dma_wait3A_258, %dma_wait3A_260, %dma_wait3A_261] : memref<10x128x16xf32, #tpu.memory_space<vmem>> -> memref<1x128x16xf32, #tpu.memory_space<vmem>>
    %dma_wait3A_263 = tpu.memref_squeeze %dma_wait3A_262 : memref<1x128x16xf32, #tpu.memory_space<vmem>> -> memref<128x16xf32, #tpu.memory_space<vmem>>
    %dma_wait3A_264 = arith.constant 0 : i32
    %dma_wait3A_265 = tpu.memref_slice %arg8[%dma_wait3A_259, %dma_wait3A_264] : memref<79x128xi32, #tpu.memory_space<vmem>> -> memref<1x128xi32, #tpu.memory_space<vmem>>
    %dma_wait3A_266 = tpu.memref_squeeze %dma_wait3A_265 : memref<1x128xi32, #tpu.memory_space<vmem>> -> memref<128xi32, #tpu.memory_space<vmem>>
    %dma_wait3A_267 = arith.constant 0 : i32
    %dma_wait3A_268 = arith.constant 0 : i32
    %dma_wait3A_269 = tpu.memref_slice %arg10[%dma_wait3A_267, %dma_wait3A_268] : memref<10112x16xf32, #tpu.memory_space<vmem_shared>> -> memref<10112x16xf32, #tpu.memory_space<vmem_shared>>
    tpu.wait_indirect_dma semaphore(%arg13 : memref<!tpu.dma_semaphore, #tpu.memory_space<semaphore_mem>>) src(%dma_wait3A_263 : memref<128x16xf32, #tpu.memory_space<vmem>>) dst(%dma_wait3A_269 : memref<10112x16xf32, #tpu.memory_space<vmem_shared>>)
    %dma_wait3A_270 = arith.constant 0 : i32
    %dma_wait3A_271 = arith.constant 0 : i32
    %dma_wait3A_272 = arith.constant 0 : i32
    %dma_wait3A_273 = arith.constant 0 : i32
    %dma_wait3A_274 = tpu.memref_slice %arg9[%dma_wait3A_270, %dma_wait3A_272, %dma_wait3A_273] : memref<10x128x16xf32, #tpu.memory_space<vmem>> -> memref<1x128x16xf32, #tpu.memory_space<vmem>>
    %dma_wait3A_275 = tpu.memref_squeeze %dma_wait3A_274 : memref<1x128x16xf32, #tpu.memory_space<vmem>> -> memref<128x16xf32, #tpu.memory_space<vmem>>
    %dma_wait3A_276 = arith.constant 0 : i32
    %dma_wait3A_277 = tpu.memref_slice %arg8[%dma_wait3A_271, %dma_wait3A_276] : memref<79x128xi32, #tpu.memory_space<vmem>> -> memref<1x128xi32, #tpu.memory_space<vmem>>
    %dma_wait3A_278 = tpu.memref_squeeze %dma_wait3A_277 : memref<1x128xi32, #tpu.memory_space<vmem>> -> memref<128xi32, #tpu.memory_space<vmem>>
    %dma_wait3A_279 = arith.constant 0 : i32
    %dma_wait3A_280 = arith.constant 0 : i32
    %dma_wait3A_281 = tpu.memref_slice %arg10[%dma_wait3A_279, %dma_wait3A_280] : memref<10112x16xf32, #tpu.memory_space<vmem_shared>> -> memref<10112x16xf32, #tpu.memory_space<vmem_shared>>
    tpu.wait_indirect_dma semaphore(%arg13 : memref<!tpu.dma_semaphore, #tpu.memory_space<semaphore_mem>>) src(%dma_wait3A_275 : memref<128x16xf32, #tpu.memory_space<vmem>>) dst(%dma_wait3A_281 : memref<10112x16xf32, #tpu.memory_space<vmem_shared>>)
    %dma_wait3A_282 = arith.constant 0 : i32
    %dma_wait3A_283 = arith.constant 0 : i32
    %dma_wait3A_284 = arith.constant 0 : i32
    %dma_wait3A_285 = arith.constant 0 : i32
    %dma_wait3A_286 = tpu.memref_slice %arg9[%dma_wait3A_282, %dma_wait3A_284, %dma_wait3A_285] : memref<10x128x16xf32, #tpu.memory_space<vmem>> -> memref<1x128x16xf32, #tpu.memory_space<vmem>>
    %dma_wait3A_287 = tpu.memref_squeeze %dma_wait3A_286 : memref<1x128x16xf32, #tpu.memory_space<vmem>> -> memref<128x16xf32, #tpu.memory_space<vmem>>
    %dma_wait3A_288 = arith.constant 0 : i32
    %dma_wait3A_289 = tpu.memref_slice %arg8[%dma_wait3A_283, %dma_wait3A_288] : memref<79x128xi32, #tpu.memory_space<vmem>> -> memref<1x128xi32, #tpu.memory_space<vmem>>
    %dma_wait3A_290 = tpu.memref_squeeze %dma_wait3A_289 : memref<1x128xi32, #tpu.memory_space<vmem>> -> memref<128xi32, #tpu.memory_space<vmem>>
    %dma_wait3A_291 = arith.constant 0 : i32
    %dma_wait3A_292 = arith.constant 0 : i32
    %dma_wait3A_293 = tpu.memref_slice %arg10[%dma_wait3A_291, %dma_wait3A_292] : memref<10112x16xf32, #tpu.memory_space<vmem_shared>> -> memref<10112x16xf32, #tpu.memory_space<vmem_shared>>
    tpu.wait_indirect_dma semaphore(%arg13 : memref<!tpu.dma_semaphore, #tpu.memory_space<semaphore_mem>>) src(%dma_wait3A_287 : memref<128x16xf32, #tpu.memory_space<vmem>>) dst(%dma_wait3A_293 : memref<10112x16xf32, #tpu.memory_space<vmem_shared>>)
    %barrier3A_294 = arith.constant 0 : index
    tpu.barrier barrier_id(%barrier3A_294)
    "tpu.region"() ({
      %run_scoped3A = tpu.sem_alloc : memref<!tpu.dma_semaphore, #tpu.memory_space<semaphore_mem>>
      %dma_start3A_295 = arith.constant 0 : i32
      %dma_start3A_296 = tpu.memref_slice %arg6[%arg0, %mul3A_2, %dma_start3A_295] : memref<2x10112x16xf32, #tpu.memory_space<hbm>> -> memref<1x632x16xf32, #tpu.memory_space<hbm>>
      %dma_start3A_297 = tpu.memref_squeeze %dma_start3A_296 : memref<1x632x16xf32, #tpu.memory_space<hbm>> -> memref<632x16xf32, #tpu.memory_space<hbm>>
      %dma_start3A_298 = arith.constant 0 : i32
      %dma_start3A_299 = tpu.memref_slice %arg10[%mul3A_2, %dma_start3A_298] : memref<10112x16xf32, #tpu.memory_space<vmem_shared>> -> memref<632x16xf32, #tpu.memory_space<vmem_shared>>
      tpu.enqueue_dma source(%dma_start3A_299 : memref<632x16xf32, #tpu.memory_space<vmem_shared>>) target(%dma_start3A_297 : memref<632x16xf32, #tpu.memory_space<hbm>>) target_semaphore(%run_scoped3A : memref<!tpu.dma_semaphore, #tpu.memory_space<semaphore_mem>>)
      %dma_wait3A_300 = arith.constant 0 : i32
      %dma_wait3A_301 = tpu.memref_slice %arg6[%arg0, %mul3A_2, %dma_wait3A_300] : memref<2x10112x16xf32, #tpu.memory_space<hbm>> -> memref<1x632x16xf32, #tpu.memory_space<hbm>>
      %dma_wait3A_302 = tpu.memref_squeeze %dma_wait3A_301 : memref<1x632x16xf32, #tpu.memory_space<hbm>> -> memref<632x16xf32, #tpu.memory_space<hbm>>
      %dma_wait3A_303 = arith.constant 0 : i32
      %dma_wait3A_304 = tpu.memref_slice %arg10[%mul3A_2, %dma_wait3A_303] : memref<10112x16xf32, #tpu.memory_space<vmem_shared>> -> memref<632x16xf32, #tpu.memory_space<vmem_shared>>
      tpu.wait_dma2 semaphore(%run_scoped3A : memref<!tpu.dma_semaphore, #tpu.memory_space<semaphore_mem>>) src(%dma_wait3A_304 : memref<632x16xf32, #tpu.memory_space<vmem_shared>>) dst(%dma_wait3A_302 : memref<632x16xf32, #tpu.memory_space<hbm>>)
      tpu.yield
    }) : () -> ()
    return
  }
}

#map = affine_map<(d0, d1) -> (0, 0)>
#map1 = affine_map<(d0, d1) -> (0, 0, 0)>
module attributes {stable_mosaic.version = 14 : i64} {
  func.func @agg_kernel(%arg0: i32, %arg1: i32, %arg2: memref<10112x16xf32, #tpu.memory_space<hbm>>, %arg3: memref<32x79x128xi32, #tpu.memory_space<hbm>>, %arg4: memref<32x79x128xi32, #tpu.memory_space<hbm>>, %arg5: memref<10112x16xf32, #tpu.memory_space<hbm>>, %arg6: memref<2x10112x16xf32, #tpu.memory_space<hbm>>, %arg7: memref<79x128xi32, #tpu.memory_space<vmem>>, %arg8: memref<79x128xi32, #tpu.memory_space<vmem>>, %arg9: memref<10x128x16xf32, #tpu.memory_space<vmem>>, %arg10: memref<10112x16xf32, #tpu.memory_space<vmem_shared>>, %arg11: memref<10112x16xf32, #tpu.memory_space<vmem_shared>>, %arg12: memref<!tpu.dma_semaphore, #tpu.memory_space<semaphore_mem>>, %arg13: memref<!tpu.dma_semaphore, #tpu.memory_space<semaphore_mem>>) attributes {dimension_semantics = [#tpu.dimension_semantics<core_parallel>, #tpu.dimension_semantics<subcore_parallel>], iteration_bounds = array<i64: 2, 16>, scalar_prefetch = 0 : i64, scratch_operands = 7 : i64, tpu.core_type = #tpu.core_type<sc_vector_subcore>, window_params = [{transform_indices = #map}, {transform_indices = #map1}, {transform_indices = #map1}, {transform_indices = #map}, {transform_indices = #map1}]} {
    %mul3A = arith.constant 2 : i32
    %mul3A_0 = arith.muli %arg1, %mul3A : i32
    %add3A = arith.addi %mul3A_0, %arg0 : i32
    %mul3A_1 = arith.constant 632 : i32
    %mul3A_2 = arith.muli %arg1, %mul3A_1 : i32
    %dma_start3A = arith.constant 0 : i32
    %dma_start3A_3 = tpu.memref_slice %arg10[%mul3A_2, %dma_start3A] : memref<10112x16xf32, #tpu.memory_space<vmem_shared>> -> memref<632x16xf32, #tpu.memory_space<vmem_shared>>
    %dma_start3A_4 = arith.constant 0 : i32
    %dma_start3A_5 = tpu.memref_slice %arg5[%mul3A_2, %dma_start3A_4] : memref<10112x16xf32, #tpu.memory_space<hbm>> -> memref<632x16xf32, #tpu.memory_space<hbm>>
    tpu.enqueue_dma source(%dma_start3A_5 : memref<632x16xf32, #tpu.memory_space<hbm>>) target(%dma_start3A_3 : memref<632x16xf32, #tpu.memory_space<vmem_shared>>) target_semaphore(%arg12 : memref<!tpu.dma_semaphore, #tpu.memory_space<semaphore_mem>>)
    %dma_start3A_6 = arith.constant 0 : i32
    %dma_start3A_7 = tpu.memref_slice %arg11[%mul3A_2, %dma_start3A_6] : memref<10112x16xf32, #tpu.memory_space<vmem_shared>> -> memref<632x16xf32, #tpu.memory_space<vmem_shared>>
    %dma_start3A_8 = arith.constant 0 : i32
    %dma_start3A_9 = tpu.memref_slice %arg2[%mul3A_2, %dma_start3A_8] : memref<10112x16xf32, #tpu.memory_space<hbm>> -> memref<632x16xf32, #tpu.memory_space<hbm>>
    tpu.enqueue_dma source(%dma_start3A_9 : memref<632x16xf32, #tpu.memory_space<hbm>>) target(%dma_start3A_7 : memref<632x16xf32, #tpu.memory_space<vmem_shared>>) target_semaphore(%arg12 : memref<!tpu.dma_semaphore, #tpu.memory_space<semaphore_mem>>)
    %dma_start3A_10 = arith.constant 0 : i32
    %dma_start3A_11 = arith.constant 0 : i32
    %dma_start3A_12 = tpu.memref_slice %arg3[%add3A, %dma_start3A_10, %dma_start3A_11] : memref<32x79x128xi32, #tpu.memory_space<hbm>> -> memref<1x79x128xi32, #tpu.memory_space<hbm>>
    %dma_start3A_13 = tpu.memref_squeeze %dma_start3A_12 : memref<1x79x128xi32, #tpu.memory_space<hbm>> -> memref<79x128xi32, #tpu.memory_space<hbm>>
    %dma_start3A_14 = arith.constant 0 : i32
    %dma_start3A_15 = arith.constant 0 : i32
    %dma_start3A_16 = tpu.memref_slice %arg3[%add3A, %dma_start3A_14, %dma_start3A_15] : memref<32x79x128xi32, #tpu.memory_space<hbm>> -> memref<1x79x128xi32, #tpu.memory_space<hbm>>
    %dma_start3A_17 = tpu.memref_squeeze %dma_start3A_16 : memref<1x79x128xi32, #tpu.memory_space<hbm>> -> memref<79x128xi32, #tpu.memory_space<hbm>>
    tpu.enqueue_dma source(%dma_start3A_17 : memref<79x128xi32, #tpu.memory_space<hbm>>) target(%arg7 : memref<79x128xi32, #tpu.memory_space<vmem>>) target_semaphore(%arg12 : memref<!tpu.dma_semaphore, #tpu.memory_space<semaphore_mem>>)
    %dma_start3A_18 = arith.constant 0 : i32
    %dma_start3A_19 = arith.constant 0 : i32
    %dma_start3A_20 = tpu.memref_slice %arg4[%add3A, %dma_start3A_18, %dma_start3A_19] : memref<32x79x128xi32, #tpu.memory_space<hbm>> -> memref<1x79x128xi32, #tpu.memory_space<hbm>>
    %dma_start3A_21 = tpu.memref_squeeze %dma_start3A_20 : memref<1x79x128xi32, #tpu.memory_space<hbm>> -> memref<79x128xi32, #tpu.memory_space<hbm>>
    %dma_start3A_22 = arith.constant 0 : i32
    %dma_start3A_23 = arith.constant 0 : i32
    %dma_start3A_24 = tpu.memref_slice %arg4[%add3A, %dma_start3A_22, %dma_start3A_23] : memref<32x79x128xi32, #tpu.memory_space<hbm>> -> memref<1x79x128xi32, #tpu.memory_space<hbm>>
    %dma_start3A_25 = tpu.memref_squeeze %dma_start3A_24 : memref<1x79x128xi32, #tpu.memory_space<hbm>> -> memref<79x128xi32, #tpu.memory_space<hbm>>
    tpu.enqueue_dma source(%dma_start3A_25 : memref<79x128xi32, #tpu.memory_space<hbm>>) target(%arg8 : memref<79x128xi32, #tpu.memory_space<vmem>>) target_semaphore(%arg12 : memref<!tpu.dma_semaphore, #tpu.memory_space<semaphore_mem>>)
    %dma_wait3A = arith.constant 0 : i32
    %dma_wait3A_26 = tpu.memref_slice %arg10[%mul3A_2, %dma_wait3A] : memref<10112x16xf32, #tpu.memory_space<vmem_shared>> -> memref<632x16xf32, #tpu.memory_space<vmem_shared>>
    %dma_wait3A_27 = arith.constant 0 : i32
    %dma_wait3A_28 = tpu.memref_slice %arg5[%mul3A_2, %dma_wait3A_27] : memref<10112x16xf32, #tpu.memory_space<hbm>> -> memref<632x16xf32, #tpu.memory_space<hbm>>
    tpu.wait_dma2 semaphore(%arg12 : memref<!tpu.dma_semaphore, #tpu.memory_space<semaphore_mem>>) src(%dma_wait3A_28 : memref<632x16xf32, #tpu.memory_space<hbm>>) dst(%dma_wait3A_26 : memref<632x16xf32, #tpu.memory_space<vmem_shared>>)
    %dma_wait3A_29 = arith.constant 0 : i32
    %dma_wait3A_30 = tpu.memref_slice %arg11[%mul3A_2, %dma_wait3A_29] : memref<10112x16xf32, #tpu.memory_space<vmem_shared>> -> memref<632x16xf32, #tpu.memory_space<vmem_shared>>
    %dma_wait3A_31 = arith.constant 0 : i32
    %dma_wait3A_32 = tpu.memref_slice %arg2[%mul3A_2, %dma_wait3A_31] : memref<10112x16xf32, #tpu.memory_space<hbm>> -> memref<632x16xf32, #tpu.memory_space<hbm>>
    tpu.wait_dma2 semaphore(%arg12 : memref<!tpu.dma_semaphore, #tpu.memory_space<semaphore_mem>>) src(%dma_wait3A_32 : memref<632x16xf32, #tpu.memory_space<hbm>>) dst(%dma_wait3A_30 : memref<632x16xf32, #tpu.memory_space<vmem_shared>>)
    %dma_wait3A_33 = arith.constant 0 : i32
    %dma_wait3A_34 = arith.constant 0 : i32
    %dma_wait3A_35 = tpu.memref_slice %arg3[%add3A, %dma_wait3A_33, %dma_wait3A_34] : memref<32x79x128xi32, #tpu.memory_space<hbm>> -> memref<1x79x128xi32, #tpu.memory_space<hbm>>
    %dma_wait3A_36 = tpu.memref_squeeze %dma_wait3A_35 : memref<1x79x128xi32, #tpu.memory_space<hbm>> -> memref<79x128xi32, #tpu.memory_space<hbm>>
    %dma_wait3A_37 = arith.constant 0 : i32
    %dma_wait3A_38 = arith.constant 0 : i32
    %dma_wait3A_39 = tpu.memref_slice %arg3[%add3A, %dma_wait3A_37, %dma_wait3A_38] : memref<32x79x128xi32, #tpu.memory_space<hbm>> -> memref<1x79x128xi32, #tpu.memory_space<hbm>>
    %dma_wait3A_40 = tpu.memref_squeeze %dma_wait3A_39 : memref<1x79x128xi32, #tpu.memory_space<hbm>> -> memref<79x128xi32, #tpu.memory_space<hbm>>
    tpu.wait_dma2 semaphore(%arg12 : memref<!tpu.dma_semaphore, #tpu.memory_space<semaphore_mem>>) src(%dma_wait3A_40 : memref<79x128xi32, #tpu.memory_space<hbm>>) dst(%arg7 : memref<79x128xi32, #tpu.memory_space<vmem>>)
    %dma_wait3A_41 = arith.constant 0 : i32
    %dma_wait3A_42 = arith.constant 0 : i32
    %dma_wait3A_43 = tpu.memref_slice %arg4[%add3A, %dma_wait3A_41, %dma_wait3A_42] : memref<32x79x128xi32, #tpu.memory_space<hbm>> -> memref<1x79x128xi32, #tpu.memory_space<hbm>>
    %dma_wait3A_44 = tpu.memref_squeeze %dma_wait3A_43 : memref<1x79x128xi32, #tpu.memory_space<hbm>> -> memref<79x128xi32, #tpu.memory_space<hbm>>
    %dma_wait3A_45 = arith.constant 0 : i32
    %dma_wait3A_46 = arith.constant 0 : i32
    %dma_wait3A_47 = tpu.memref_slice %arg4[%add3A, %dma_wait3A_45, %dma_wait3A_46] : memref<32x79x128xi32, #tpu.memory_space<hbm>> -> memref<1x79x128xi32, #tpu.memory_space<hbm>>
    %dma_wait3A_48 = tpu.memref_squeeze %dma_wait3A_47 : memref<1x79x128xi32, #tpu.memory_space<hbm>> -> memref<79x128xi32, #tpu.memory_space<hbm>>
    tpu.wait_dma2 semaphore(%arg12 : memref<!tpu.dma_semaphore, #tpu.memory_space<semaphore_mem>>) src(%dma_wait3A_48 : memref<79x128xi32, #tpu.memory_space<hbm>>) dst(%arg8 : memref<79x128xi32, #tpu.memory_space<vmem>>)
    %barrier3A = arith.constant 0 : index
    tpu.barrier barrier_id(%barrier3A)
    %dma_start3A_49 = arith.constant 0 : i32
    %dma_start3A_50 = arith.constant 0 : i32
    %dma_start3A_51 = arith.constant 0 : i32
    %dma_start3A_52 = arith.constant 0 : i32
    %dma_start3A_53 = tpu.memref_slice %arg9[%dma_start3A_50, %dma_start3A_51, %dma_start3A_52] : memref<10x128x16xf32, #tpu.memory_space<vmem>> -> memref<1x128x16xf32, #tpu.memory_space<vmem>>
    %dma_start3A_54 = tpu.memref_squeeze %dma_start3A_53 : memref<1x128x16xf32, #tpu.memory_space<vmem>> -> memref<128x16xf32, #tpu.memory_space<vmem>>
    %dma_start3A_55 = arith.constant 0 : i32
    %dma_start3A_56 = tpu.memref_slice %arg7[%dma_start3A_49, %dma_start3A_55] : memref<79x128xi32, #tpu.memory_space<vmem>> -> memref<1x128xi32, #tpu.memory_space<vmem>>
    %dma_start3A_57 = tpu.memref_squeeze %dma_start3A_56 : memref<1x128xi32, #tpu.memory_space<vmem>> -> memref<128xi32, #tpu.memory_space<vmem>>
    %dma_start3A_58 = arith.constant 0 : i32
    %dma_start3A_59 = arith.constant 0 : i32
    %dma_start3A_60 = tpu.memref_slice %arg11[%dma_start3A_58, %dma_start3A_59] : memref<10112x16xf32, #tpu.memory_space<vmem_shared>> -> memref<10112x16xf32, #tpu.memory_space<vmem_shared>>
    tpu.enqueue_indirect_dma source(%dma_start3A_60 : memref<10112x16xf32, #tpu.memory_space<vmem_shared>>) target(%dma_start3A_54 : memref<128x16xf32, #tpu.memory_space<vmem>>) offsets(%dma_start3A_57 : memref<128xi32, #tpu.memory_space<vmem>>) semaphore(%arg12 : memref<!tpu.dma_semaphore, #tpu.memory_space<semaphore_mem>>)
    %dma_start3A_61 = arith.constant 1 : i32
    %dma_start3A_62 = arith.constant 1 : i32
    %dma_start3A_63 = arith.constant 0 : i32
    %dma_start3A_64 = arith.constant 0 : i32
    %dma_start3A_65 = tpu.memref_slice %arg9[%dma_start3A_62, %dma_start3A_63, %dma_start3A_64] : memref<10x128x16xf32, #tpu.memory_space<vmem>> -> memref<1x128x16xf32, #tpu.memory_space<vmem>>
    %dma_start3A_66 = tpu.memref_squeeze %dma_start3A_65 : memref<1x128x16xf32, #tpu.memory_space<vmem>> -> memref<128x16xf32, #tpu.memory_space<vmem>>
    %dma_start3A_67 = arith.constant 0 : i32
    %dma_start3A_68 = tpu.memref_slice %arg7[%dma_start3A_61, %dma_start3A_67] : memref<79x128xi32, #tpu.memory_space<vmem>> -> memref<1x128xi32, #tpu.memory_space<vmem>>
    %dma_start3A_69 = tpu.memref_squeeze %dma_start3A_68 : memref<1x128xi32, #tpu.memory_space<vmem>> -> memref<128xi32, #tpu.memory_space<vmem>>
    %dma_start3A_70 = arith.constant 0 : i32
    %dma_start3A_71 = arith.constant 0 : i32
    %dma_start3A_72 = tpu.memref_slice %arg11[%dma_start3A_70, %dma_start3A_71] : memref<10112x16xf32, #tpu.memory_space<vmem_shared>> -> memref<10112x16xf32, #tpu.memory_space<vmem_shared>>
    tpu.enqueue_indirect_dma source(%dma_start3A_72 : memref<10112x16xf32, #tpu.memory_space<vmem_shared>>) target(%dma_start3A_66 : memref<128x16xf32, #tpu.memory_space<vmem>>) offsets(%dma_start3A_69 : memref<128xi32, #tpu.memory_space<vmem>>) semaphore(%arg12 : memref<!tpu.dma_semaphore, #tpu.memory_space<semaphore_mem>>)
    %dma_start3A_73 = arith.constant 2 : i32
    %dma_start3A_74 = arith.constant 2 : i32
    %dma_start3A_75 = arith.constant 0 : i32
    %dma_start3A_76 = arith.constant 0 : i32
    %dma_start3A_77 = tpu.memref_slice %arg9[%dma_start3A_74, %dma_start3A_75, %dma_start3A_76] : memref<10x128x16xf32, #tpu.memory_space<vmem>> -> memref<1x128x16xf32, #tpu.memory_space<vmem>>
    %dma_start3A_78 = tpu.memref_squeeze %dma_start3A_77 : memref<1x128x16xf32, #tpu.memory_space<vmem>> -> memref<128x16xf32, #tpu.memory_space<vmem>>
    %dma_start3A_79 = arith.constant 0 : i32
    %dma_start3A_80 = tpu.memref_slice %arg7[%dma_start3A_73, %dma_start3A_79] : memref<79x128xi32, #tpu.memory_space<vmem>> -> memref<1x128xi32, #tpu.memory_space<vmem>>
    %dma_start3A_81 = tpu.memref_squeeze %dma_start3A_80 : memref<1x128xi32, #tpu.memory_space<vmem>> -> memref<128xi32, #tpu.memory_space<vmem>>
    %dma_start3A_82 = arith.constant 0 : i32
    %dma_start3A_83 = arith.constant 0 : i32
    %dma_start3A_84 = tpu.memref_slice %arg11[%dma_start3A_82, %dma_start3A_83] : memref<10112x16xf32, #tpu.memory_space<vmem_shared>> -> memref<10112x16xf32, #tpu.memory_space<vmem_shared>>
    tpu.enqueue_indirect_dma source(%dma_start3A_84 : memref<10112x16xf32, #tpu.memory_space<vmem_shared>>) target(%dma_start3A_78 : memref<128x16xf32, #tpu.memory_space<vmem>>) offsets(%dma_start3A_81 : memref<128xi32, #tpu.memory_space<vmem>>) semaphore(%arg12 : memref<!tpu.dma_semaphore, #tpu.memory_space<semaphore_mem>>)
    %dma_start3A_85 = arith.constant 3 : i32
    %dma_start3A_86 = arith.constant 3 : i32
    %dma_start3A_87 = arith.constant 0 : i32
    %dma_start3A_88 = arith.constant 0 : i32
    %dma_start3A_89 = tpu.memref_slice %arg9[%dma_start3A_86, %dma_start3A_87, %dma_start3A_88] : memref<10x128x16xf32, #tpu.memory_space<vmem>> -> memref<1x128x16xf32, #tpu.memory_space<vmem>>
    %dma_start3A_90 = tpu.memref_squeeze %dma_start3A_89 : memref<1x128x16xf32, #tpu.memory_space<vmem>> -> memref<128x16xf32, #tpu.memory_space<vmem>>
    %dma_start3A_91 = arith.constant 0 : i32
    %dma_start3A_92 = tpu.memref_slice %arg7[%dma_start3A_85, %dma_start3A_91] : memref<79x128xi32, #tpu.memory_space<vmem>> -> memref<1x128xi32, #tpu.memory_space<vmem>>
    %dma_start3A_93 = tpu.memref_squeeze %dma_start3A_92 : memref<1x128xi32, #tpu.memory_space<vmem>> -> memref<128xi32, #tpu.memory_space<vmem>>
    %dma_start3A_94 = arith.constant 0 : i32
    %dma_start3A_95 = arith.constant 0 : i32
    %dma_start3A_96 = tpu.memref_slice %arg11[%dma_start3A_94, %dma_start3A_95] : memref<10112x16xf32, #tpu.memory_space<vmem_shared>> -> memref<10112x16xf32, #tpu.memory_space<vmem_shared>>
    tpu.enqueue_indirect_dma source(%dma_start3A_96 : memref<10112x16xf32, #tpu.memory_space<vmem_shared>>) target(%dma_start3A_90 : memref<128x16xf32, #tpu.memory_space<vmem>>) offsets(%dma_start3A_93 : memref<128xi32, #tpu.memory_space<vmem>>) semaphore(%arg12 : memref<!tpu.dma_semaphore, #tpu.memory_space<semaphore_mem>>)
    %dma_start3A_97 = arith.constant 4 : i32
    %dma_start3A_98 = arith.constant 4 : i32
    %dma_start3A_99 = arith.constant 0 : i32
    %dma_start3A_100 = arith.constant 0 : i32
    %dma_start3A_101 = tpu.memref_slice %arg9[%dma_start3A_98, %dma_start3A_99, %dma_start3A_100] : memref<10x128x16xf32, #tpu.memory_space<vmem>> -> memref<1x128x16xf32, #tpu.memory_space<vmem>>
    %dma_start3A_102 = tpu.memref_squeeze %dma_start3A_101 : memref<1x128x16xf32, #tpu.memory_space<vmem>> -> memref<128x16xf32, #tpu.memory_space<vmem>>
    %dma_start3A_103 = arith.constant 0 : i32
    %dma_start3A_104 = tpu.memref_slice %arg7[%dma_start3A_97, %dma_start3A_103] : memref<79x128xi32, #tpu.memory_space<vmem>> -> memref<1x128xi32, #tpu.memory_space<vmem>>
    %dma_start3A_105 = tpu.memref_squeeze %dma_start3A_104 : memref<1x128xi32, #tpu.memory_space<vmem>> -> memref<128xi32, #tpu.memory_space<vmem>>
    %dma_start3A_106 = arith.constant 0 : i32
    %dma_start3A_107 = arith.constant 0 : i32
    %dma_start3A_108 = tpu.memref_slice %arg11[%dma_start3A_106, %dma_start3A_107] : memref<10112x16xf32, #tpu.memory_space<vmem_shared>> -> memref<10112x16xf32, #tpu.memory_space<vmem_shared>>
    tpu.enqueue_indirect_dma source(%dma_start3A_108 : memref<10112x16xf32, #tpu.memory_space<vmem_shared>>) target(%dma_start3A_102 : memref<128x16xf32, #tpu.memory_space<vmem>>) offsets(%dma_start3A_105 : memref<128xi32, #tpu.memory_space<vmem>>) semaphore(%arg12 : memref<!tpu.dma_semaphore, #tpu.memory_space<semaphore_mem>>)
    %dma_start3A_109 = arith.constant 5 : i32
    %dma_start3A_110 = arith.constant 5 : i32
    %dma_start3A_111 = arith.constant 0 : i32
    %dma_start3A_112 = arith.constant 0 : i32
    %dma_start3A_113 = tpu.memref_slice %arg9[%dma_start3A_110, %dma_start3A_111, %dma_start3A_112] : memref<10x128x16xf32, #tpu.memory_space<vmem>> -> memref<1x128x16xf32, #tpu.memory_space<vmem>>
    %dma_start3A_114 = tpu.memref_squeeze %dma_start3A_113 : memref<1x128x16xf32, #tpu.memory_space<vmem>> -> memref<128x16xf32, #tpu.memory_space<vmem>>
    %dma_start3A_115 = arith.constant 0 : i32
    %dma_start3A_116 = tpu.memref_slice %arg7[%dma_start3A_109, %dma_start3A_115] : memref<79x128xi32, #tpu.memory_space<vmem>> -> memref<1x128xi32, #tpu.memory_space<vmem>>
    %dma_start3A_117 = tpu.memref_squeeze %dma_start3A_116 : memref<1x128xi32, #tpu.memory_space<vmem>> -> memref<128xi32, #tpu.memory_space<vmem>>
    %dma_start3A_118 = arith.constant 0 : i32
    %dma_start3A_119 = arith.constant 0 : i32
    %dma_start3A_120 = tpu.memref_slice %arg11[%dma_start3A_118, %dma_start3A_119] : memref<10112x16xf32, #tpu.memory_space<vmem_shared>> -> memref<10112x16xf32, #tpu.memory_space<vmem_shared>>
    tpu.enqueue_indirect_dma source(%dma_start3A_120 : memref<10112x16xf32, #tpu.memory_space<vmem_shared>>) target(%dma_start3A_114 : memref<128x16xf32, #tpu.memory_space<vmem>>) offsets(%dma_start3A_117 : memref<128xi32, #tpu.memory_space<vmem>>) semaphore(%arg12 : memref<!tpu.dma_semaphore, #tpu.memory_space<semaphore_mem>>)
    %dma_start3A_121 = arith.constant 6 : i32
    %dma_start3A_122 = arith.constant 6 : i32
    %dma_start3A_123 = arith.constant 0 : i32
    %dma_start3A_124 = arith.constant 0 : i32
    %dma_start3A_125 = tpu.memref_slice %arg9[%dma_start3A_122, %dma_start3A_123, %dma_start3A_124] : memref<10x128x16xf32, #tpu.memory_space<vmem>> -> memref<1x128x16xf32, #tpu.memory_space<vmem>>
    %dma_start3A_126 = tpu.memref_squeeze %dma_start3A_125 : memref<1x128x16xf32, #tpu.memory_space<vmem>> -> memref<128x16xf32, #tpu.memory_space<vmem>>
    %dma_start3A_127 = arith.constant 0 : i32
    %dma_start3A_128 = tpu.memref_slice %arg7[%dma_start3A_121, %dma_start3A_127] : memref<79x128xi32, #tpu.memory_space<vmem>> -> memref<1x128xi32, #tpu.memory_space<vmem>>
    %dma_start3A_129 = tpu.memref_squeeze %dma_start3A_128 : memref<1x128xi32, #tpu.memory_space<vmem>> -> memref<128xi32, #tpu.memory_space<vmem>>
    %dma_start3A_130 = arith.constant 0 : i32
    %dma_start3A_131 = arith.constant 0 : i32
    %dma_start3A_132 = tpu.memref_slice %arg11[%dma_start3A_130, %dma_start3A_131] : memref<10112x16xf32, #tpu.memory_space<vmem_shared>> -> memref<10112x16xf32, #tpu.memory_space<vmem_shared>>
    tpu.enqueue_indirect_dma source(%dma_start3A_132 : memref<10112x16xf32, #tpu.memory_space<vmem_shared>>) target(%dma_start3A_126 : memref<128x16xf32, #tpu.memory_space<vmem>>) offsets(%dma_start3A_129 : memref<128xi32, #tpu.memory_space<vmem>>) semaphore(%arg12 : memref<!tpu.dma_semaphore, #tpu.memory_space<semaphore_mem>>)
    %dma_start3A_133 = arith.constant 7 : i32
    %dma_start3A_134 = arith.constant 7 : i32
    %dma_start3A_135 = arith.constant 0 : i32
    %dma_start3A_136 = arith.constant 0 : i32
    %dma_start3A_137 = tpu.memref_slice %arg9[%dma_start3A_134, %dma_start3A_135, %dma_start3A_136] : memref<10x128x16xf32, #tpu.memory_space<vmem>> -> memref<1x128x16xf32, #tpu.memory_space<vmem>>
    %dma_start3A_138 = tpu.memref_squeeze %dma_start3A_137 : memref<1x128x16xf32, #tpu.memory_space<vmem>> -> memref<128x16xf32, #tpu.memory_space<vmem>>
    %dma_start3A_139 = arith.constant 0 : i32
    %dma_start3A_140 = tpu.memref_slice %arg7[%dma_start3A_133, %dma_start3A_139] : memref<79x128xi32, #tpu.memory_space<vmem>> -> memref<1x128xi32, #tpu.memory_space<vmem>>
    %dma_start3A_141 = tpu.memref_squeeze %dma_start3A_140 : memref<1x128xi32, #tpu.memory_space<vmem>> -> memref<128xi32, #tpu.memory_space<vmem>>
    %dma_start3A_142 = arith.constant 0 : i32
    %dma_start3A_143 = arith.constant 0 : i32
    %dma_start3A_144 = tpu.memref_slice %arg11[%dma_start3A_142, %dma_start3A_143] : memref<10112x16xf32, #tpu.memory_space<vmem_shared>> -> memref<10112x16xf32, #tpu.memory_space<vmem_shared>>
    tpu.enqueue_indirect_dma source(%dma_start3A_144 : memref<10112x16xf32, #tpu.memory_space<vmem_shared>>) target(%dma_start3A_138 : memref<128x16xf32, #tpu.memory_space<vmem>>) offsets(%dma_start3A_141 : memref<128xi32, #tpu.memory_space<vmem>>) semaphore(%arg12 : memref<!tpu.dma_semaphore, #tpu.memory_space<semaphore_mem>>)
    %dma_start3A_145 = arith.constant 8 : i32
    %dma_start3A_146 = arith.constant 8 : i32
    %dma_start3A_147 = arith.constant 0 : i32
    %dma_start3A_148 = arith.constant 0 : i32
    %dma_start3A_149 = tpu.memref_slice %arg9[%dma_start3A_146, %dma_start3A_147, %dma_start3A_148] : memref<10x128x16xf32, #tpu.memory_space<vmem>> -> memref<1x128x16xf32, #tpu.memory_space<vmem>>
    %dma_start3A_150 = tpu.memref_squeeze %dma_start3A_149 : memref<1x128x16xf32, #tpu.memory_space<vmem>> -> memref<128x16xf32, #tpu.memory_space<vmem>>
    %dma_start3A_151 = arith.constant 0 : i32
    %dma_start3A_152 = tpu.memref_slice %arg7[%dma_start3A_145, %dma_start3A_151] : memref<79x128xi32, #tpu.memory_space<vmem>> -> memref<1x128xi32, #tpu.memory_space<vmem>>
    %dma_start3A_153 = tpu.memref_squeeze %dma_start3A_152 : memref<1x128xi32, #tpu.memory_space<vmem>> -> memref<128xi32, #tpu.memory_space<vmem>>
    %dma_start3A_154 = arith.constant 0 : i32
    %dma_start3A_155 = arith.constant 0 : i32
    %dma_start3A_156 = tpu.memref_slice %arg11[%dma_start3A_154, %dma_start3A_155] : memref<10112x16xf32, #tpu.memory_space<vmem_shared>> -> memref<10112x16xf32, #tpu.memory_space<vmem_shared>>
    tpu.enqueue_indirect_dma source(%dma_start3A_156 : memref<10112x16xf32, #tpu.memory_space<vmem_shared>>) target(%dma_start3A_150 : memref<128x16xf32, #tpu.memory_space<vmem>>) offsets(%dma_start3A_153 : memref<128xi32, #tpu.memory_space<vmem>>) semaphore(%arg12 : memref<!tpu.dma_semaphore, #tpu.memory_space<semaphore_mem>>)
    %dma_start3A_157 = arith.constant 9 : i32
    %dma_start3A_158 = arith.constant 9 : i32
    %dma_start3A_159 = arith.constant 0 : i32
    %dma_start3A_160 = arith.constant 0 : i32
    %dma_start3A_161 = tpu.memref_slice %arg9[%dma_start3A_158, %dma_start3A_159, %dma_start3A_160] : memref<10x128x16xf32, #tpu.memory_space<vmem>> -> memref<1x128x16xf32, #tpu.memory_space<vmem>>
    %dma_start3A_162 = tpu.memref_squeeze %dma_start3A_161 : memref<1x128x16xf32, #tpu.memory_space<vmem>> -> memref<128x16xf32, #tpu.memory_space<vmem>>
    %dma_start3A_163 = arith.constant 0 : i32
    %dma_start3A_164 = tpu.memref_slice %arg7[%dma_start3A_157, %dma_start3A_163] : memref<79x128xi32, #tpu.memory_space<vmem>> -> memref<1x128xi32, #tpu.memory_space<vmem>>
    %dma_start3A_165 = tpu.memref_squeeze %dma_start3A_164 : memref<1x128xi32, #tpu.memory_space<vmem>> -> memref<128xi32, #tpu.memory_space<vmem>>
    %dma_start3A_166 = arith.constant 0 : i32
    %dma_start3A_167 = arith.constant 0 : i32
    %dma_start3A_168 = tpu.memref_slice %arg11[%dma_start3A_166, %dma_start3A_167] : memref<10112x16xf32, #tpu.memory_space<vmem_shared>> -> memref<10112x16xf32, #tpu.memory_space<vmem_shared>>
    tpu.enqueue_indirect_dma source(%dma_start3A_168 : memref<10112x16xf32, #tpu.memory_space<vmem_shared>>) target(%dma_start3A_162 : memref<128x16xf32, #tpu.memory_space<vmem>>) offsets(%dma_start3A_165 : memref<128xi32, #tpu.memory_space<vmem>>) semaphore(%arg12 : memref<!tpu.dma_semaphore, #tpu.memory_space<semaphore_mem>>)
    %scan3A = arith.constant 0 : i32
    %scan3A_169 = arith.constant 0 : i32
    %scan3A_170 = arith.constant 79 : i32
    %scan3A_171 = arith.addi %scan3A_169, %scan3A_170 : i32
    %scan3A_172 = arith.constant 1 : i32
    scf.for %scan3A_295 = %scan3A_169 to %scan3A_171 step %scan3A_172  : i32 {
      %ge3A = arith.constant 3 : i32
      %ge3A_296 = arith.cmpi sge, %scan3A_295, %ge3A : i32
      %add3A_297 = arith.constant 10 : i32
      %add3A_298 = arith.addi %scan3A_295, %add3A_297 : i32
      %sub3A = arith.constant 3 : i32
      %sub3A_299 = arith.subi %add3A_298, %sub3A : i32
      %lt3A = arith.constant 79 : i32
      %lt3A_300 = arith.cmpi slt, %sub3A_299, %lt3A : i32
      %and3A = arith.andi %ge3A_296, %lt3A_300 : i1
      %convert_element_type3A = arith.extui %and3A : i1 to i32
      %cond3A = arith.constant 0 : i32
      %cond3A_301 = arith.cmpi ne, %convert_element_type3A, %cond3A : i32
      scf.if %cond3A_301 {
        %dma_wait3A_323 = arith.constant 0 : i32
        %dma_wait3A_324 = arith.constant 0 : i32
        %dma_wait3A_325 = arith.constant 0 : i32
        %dma_wait3A_326 = arith.constant 0 : i32
        %dma_wait3A_327 = tpu.memref_slice %arg9[%dma_wait3A_323, %dma_wait3A_325, %dma_wait3A_326] : memref<10x128x16xf32, #tpu.memory_space<vmem>> -> memref<1x128x16xf32, #tpu.memory_space<vmem>>
        %dma_wait3A_328 = tpu.memref_squeeze %dma_wait3A_327 : memref<1x128x16xf32, #tpu.memory_space<vmem>> -> memref<128x16xf32, #tpu.memory_space<vmem>>
        %dma_wait3A_329 = arith.constant 0 : i32
        %dma_wait3A_330 = tpu.memref_slice %arg8[%dma_wait3A_324, %dma_wait3A_329] : memref<79x128xi32, #tpu.memory_space<vmem>> -> memref<1x128xi32, #tpu.memory_space<vmem>>
        %dma_wait3A_331 = tpu.memref_squeeze %dma_wait3A_330 : memref<1x128xi32, #tpu.memory_space<vmem>> -> memref<128xi32, #tpu.memory_space<vmem>>
        %dma_wait3A_332 = arith.constant 0 : i32
        %dma_wait3A_333 = arith.constant 0 : i32
        %dma_wait3A_334 = tpu.memref_slice %arg10[%dma_wait3A_332, %dma_wait3A_333] : memref<10112x16xf32, #tpu.memory_space<vmem_shared>> -> memref<10112x16xf32, #tpu.memory_space<vmem_shared>>
        tpu.wait_indirect_dma semaphore(%arg13 : memref<!tpu.dma_semaphore, #tpu.memory_space<semaphore_mem>>) src(%dma_wait3A_328 : memref<128x16xf32, #tpu.memory_space<vmem>>) dst(%dma_wait3A_334 : memref<10112x16xf32, #tpu.memory_space<vmem_shared>>)
        %add3A_335 = arith.constant 10 : i32
        %add3A_336 = arith.addi %scan3A_295, %add3A_335 : i32
        %sub3A_337 = arith.constant 3 : i32
        %sub3A_338 = arith.subi %add3A_336, %sub3A_337 : i32
        %rem3A_339 = arith.constant 10 : i32
        %rem3A_340 = arith.remsi %sub3A_338, %rem3A_339 : i32
        %dma_start3A_341 = arith.constant 0 : i32
        %dma_start3A_342 = arith.constant 0 : i32
        %dma_start3A_343 = tpu.memref_slice %arg9[%rem3A_340, %dma_start3A_341, %dma_start3A_342] : memref<10x128x16xf32, #tpu.memory_space<vmem>> -> memref<1x128x16xf32, #tpu.memory_space<vmem>>
        %dma_start3A_344 = tpu.memref_squeeze %dma_start3A_343 : memref<1x128x16xf32, #tpu.memory_space<vmem>> -> memref<128x16xf32, #tpu.memory_space<vmem>>
        %dma_start3A_345 = arith.constant 0 : i32
        %dma_start3A_346 = tpu.memref_slice %arg7[%sub3A_338, %dma_start3A_345] : memref<79x128xi32, #tpu.memory_space<vmem>> -> memref<1x128xi32, #tpu.memory_space<vmem>>
        %dma_start3A_347 = tpu.memref_squeeze %dma_start3A_346 : memref<1x128xi32, #tpu.memory_space<vmem>> -> memref<128xi32, #tpu.memory_space<vmem>>
        %dma_start3A_348 = arith.constant 0 : i32
        %dma_start3A_349 = arith.constant 0 : i32
        %dma_start3A_350 = tpu.memref_slice %arg11[%dma_start3A_348, %dma_start3A_349] : memref<10112x16xf32, #tpu.memory_space<vmem_shared>> -> memref<10112x16xf32, #tpu.memory_space<vmem_shared>>
        tpu.enqueue_indirect_dma source(%dma_start3A_350 : memref<10112x16xf32, #tpu.memory_space<vmem_shared>>) target(%dma_start3A_344 : memref<128x16xf32, #tpu.memory_space<vmem>>) offsets(%dma_start3A_347 : memref<128xi32, #tpu.memory_space<vmem>>) semaphore(%arg12 : memref<!tpu.dma_semaphore, #tpu.memory_space<semaphore_mem>>)
      } else {
      }
      %rem3A = arith.constant 10 : i32
      %rem3A_302 = arith.remsi %scan3A_295, %rem3A : i32
      %dma_wait3A_303 = arith.constant 0 : i32
      %dma_wait3A_304 = arith.constant 0 : i32
      %dma_wait3A_305 = tpu.memref_slice %arg9[%rem3A_302, %dma_wait3A_303, %dma_wait3A_304] : memref<10x128x16xf32, #tpu.memory_space<vmem>> -> memref<1x128x16xf32, #tpu.memory_space<vmem>>
      %dma_wait3A_306 = tpu.memref_squeeze %dma_wait3A_305 : memref<1x128x16xf32, #tpu.memory_space<vmem>> -> memref<128x16xf32, #tpu.memory_space<vmem>>
      %dma_wait3A_307 = arith.constant 0 : i32
      %dma_wait3A_308 = tpu.memref_slice %arg7[%scan3A_295, %dma_wait3A_307] : memref<79x128xi32, #tpu.memory_space<vmem>> -> memref<1x128xi32, #tpu.memory_space<vmem>>
      %dma_wait3A_309 = tpu.memref_squeeze %dma_wait3A_308 : memref<1x128xi32, #tpu.memory_space<vmem>> -> memref<128xi32, #tpu.memory_space<vmem>>
      %dma_wait3A_310 = arith.constant 0 : i32
      %dma_wait3A_311 = arith.constant 0 : i32
      %dma_wait3A_312 = tpu.memref_slice %arg11[%dma_wait3A_310, %dma_wait3A_311] : memref<10112x16xf32, #tpu.memory_space<vmem_shared>> -> memref<10112x16xf32, #tpu.memory_space<vmem_shared>>
      tpu.wait_indirect_dma semaphore(%arg12 : memref<!tpu.dma_semaphore, #tpu.memory_space<semaphore_mem>>) src(%dma_wait3A_312 : memref<10112x16xf32, #tpu.memory_space<vmem_shared>>) dst(%dma_wait3A_306 : memref<128x16xf32, #tpu.memory_space<vmem>>)
      %dma_start3A_313 = arith.constant 0 : i32
      %dma_start3A_314 = arith.constant 0 : i32
      %dma_start3A_315 = tpu.memref_slice %arg9[%rem3A_302, %dma_start3A_313, %dma_start3A_314] : memref<10x128x16xf32, #tpu.memory_space<vmem>> -> memref<1x128x16xf32, #tpu.memory_space<vmem>>
      %dma_start3A_316 = tpu.memref_squeeze %dma_start3A_315 : memref<1x128x16xf32, #tpu.memory_space<vmem>> -> memref<128x16xf32, #tpu.memory_space<vmem>>
      %dma_start3A_317 = arith.constant 0 : i32
      %dma_start3A_318 = tpu.memref_slice %arg8[%scan3A_295, %dma_start3A_317] : memref<79x128xi32, #tpu.memory_space<vmem>> -> memref<1x128xi32, #tpu.memory_space<vmem>>
      %dma_start3A_319 = tpu.memref_squeeze %dma_start3A_318 : memref<1x128xi32, #tpu.memory_space<vmem>> -> memref<128xi32, #tpu.memory_space<vmem>>
      %dma_start3A_320 = arith.constant 0 : i32
      %dma_start3A_321 = arith.constant 0 : i32
      %dma_start3A_322 = tpu.memref_slice %arg10[%dma_start3A_320, %dma_start3A_321] : memref<10112x16xf32, #tpu.memory_space<vmem_shared>> -> memref<10112x16xf32, #tpu.memory_space<vmem_shared>>
      tpu.enqueue_indirect_dma source(%dma_start3A_316 : memref<128x16xf32, #tpu.memory_space<vmem>>) target(%dma_start3A_322 : memref<10112x16xf32, #tpu.memory_space<vmem_shared>>) offsets(%dma_start3A_319 : memref<128xi32, #tpu.memory_space<vmem>>) semaphore(%arg13 : memref<!tpu.dma_semaphore, #tpu.memory_space<semaphore_mem>>) {add = true}
    }
    %scan3A_173 = arith.constant 79 : i32
    %dma_wait3A_174 = arith.constant 0 : i32
    %dma_wait3A_175 = arith.constant 0 : i32
    %dma_wait3A_176 = arith.constant 0 : i32
    %dma_wait3A_177 = arith.constant 0 : i32
    %dma_wait3A_178 = tpu.memref_slice %arg9[%dma_wait3A_174, %dma_wait3A_176, %dma_wait3A_177] : memref<10x128x16xf32, #tpu.memory_space<vmem>> -> memref<1x128x16xf32, #tpu.memory_space<vmem>>
    %dma_wait3A_179 = tpu.memref_squeeze %dma_wait3A_178 : memref<1x128x16xf32, #tpu.memory_space<vmem>> -> memref<128x16xf32, #tpu.memory_space<vmem>>
    %dma_wait3A_180 = arith.constant 0 : i32
    %dma_wait3A_181 = tpu.memref_slice %arg8[%dma_wait3A_175, %dma_wait3A_180] : memref<79x128xi32, #tpu.memory_space<vmem>> -> memref<1x128xi32, #tpu.memory_space<vmem>>
    %dma_wait3A_182 = tpu.memref_squeeze %dma_wait3A_181 : memref<1x128xi32, #tpu.memory_space<vmem>> -> memref<128xi32, #tpu.memory_space<vmem>>
    %dma_wait3A_183 = arith.constant 0 : i32
    %dma_wait3A_184 = arith.constant 0 : i32
    %dma_wait3A_185 = tpu.memref_slice %arg10[%dma_wait3A_183, %dma_wait3A_184] : memref<10112x16xf32, #tpu.memory_space<vmem_shared>> -> memref<10112x16xf32, #tpu.memory_space<vmem_shared>>
    tpu.wait_indirect_dma semaphore(%arg13 : memref<!tpu.dma_semaphore, #tpu.memory_space<semaphore_mem>>) src(%dma_wait3A_179 : memref<128x16xf32, #tpu.memory_space<vmem>>) dst(%dma_wait3A_185 : memref<10112x16xf32, #tpu.memory_space<vmem_shared>>)
    %dma_wait3A_186 = arith.constant 0 : i32
    %dma_wait3A_187 = arith.constant 0 : i32
    %dma_wait3A_188 = arith.constant 0 : i32
    %dma_wait3A_189 = arith.constant 0 : i32
    %dma_wait3A_190 = tpu.memref_slice %arg9[%dma_wait3A_186, %dma_wait3A_188, %dma_wait3A_189] : memref<10x128x16xf32, #tpu.memory_space<vmem>> -> memref<1x128x16xf32, #tpu.memory_space<vmem>>
    %dma_wait3A_191 = tpu.memref_squeeze %dma_wait3A_190 : memref<1x128x16xf32, #tpu.memory_space<vmem>> -> memref<128x16xf32, #tpu.memory_space<vmem>>
    %dma_wait3A_192 = arith.constant 0 : i32
    %dma_wait3A_193 = tpu.memref_slice %arg8[%dma_wait3A_187, %dma_wait3A_192] : memref<79x128xi32, #tpu.memory_space<vmem>> -> memref<1x128xi32, #tpu.memory_space<vmem>>
    %dma_wait3A_194 = tpu.memref_squeeze %dma_wait3A_193 : memref<1x128xi32, #tpu.memory_space<vmem>> -> memref<128xi32, #tpu.memory_space<vmem>>
    %dma_wait3A_195 = arith.constant 0 : i32
    %dma_wait3A_196 = arith.constant 0 : i32
    %dma_wait3A_197 = tpu.memref_slice %arg10[%dma_wait3A_195, %dma_wait3A_196] : memref<10112x16xf32, #tpu.memory_space<vmem_shared>> -> memref<10112x16xf32, #tpu.memory_space<vmem_shared>>
    tpu.wait_indirect_dma semaphore(%arg13 : memref<!tpu.dma_semaphore, #tpu.memory_space<semaphore_mem>>) src(%dma_wait3A_191 : memref<128x16xf32, #tpu.memory_space<vmem>>) dst(%dma_wait3A_197 : memref<10112x16xf32, #tpu.memory_space<vmem_shared>>)
    %dma_wait3A_198 = arith.constant 0 : i32
    %dma_wait3A_199 = arith.constant 0 : i32
    %dma_wait3A_200 = arith.constant 0 : i32
    %dma_wait3A_201 = arith.constant 0 : i32
    %dma_wait3A_202 = tpu.memref_slice %arg9[%dma_wait3A_198, %dma_wait3A_200, %dma_wait3A_201] : memref<10x128x16xf32, #tpu.memory_space<vmem>> -> memref<1x128x16xf32, #tpu.memory_space<vmem>>
    %dma_wait3A_203 = tpu.memref_squeeze %dma_wait3A_202 : memref<1x128x16xf32, #tpu.memory_space<vmem>> -> memref<128x16xf32, #tpu.memory_space<vmem>>
    %dma_wait3A_204 = arith.constant 0 : i32
    %dma_wait3A_205 = tpu.memref_slice %arg8[%dma_wait3A_199, %dma_wait3A_204] : memref<79x128xi32, #tpu.memory_space<vmem>> -> memref<1x128xi32, #tpu.memory_space<vmem>>
    %dma_wait3A_206 = tpu.memref_squeeze %dma_wait3A_205 : memref<1x128xi32, #tpu.memory_space<vmem>> -> memref<128xi32, #tpu.memory_space<vmem>>
    %dma_wait3A_207 = arith.constant 0 : i32
    %dma_wait3A_208 = arith.constant 0 : i32
    %dma_wait3A_209 = tpu.memref_slice %arg10[%dma_wait3A_207, %dma_wait3A_208] : memref<10112x16xf32, #tpu.memory_space<vmem_shared>> -> memref<10112x16xf32, #tpu.memory_space<vmem_shared>>
    tpu.wait_indirect_dma semaphore(%arg13 : memref<!tpu.dma_semaphore, #tpu.memory_space<semaphore_mem>>) src(%dma_wait3A_203 : memref<128x16xf32, #tpu.memory_space<vmem>>) dst(%dma_wait3A_209 : memref<10112x16xf32, #tpu.memory_space<vmem_shared>>)
    %dma_wait3A_210 = arith.constant 0 : i32
    %dma_wait3A_211 = arith.constant 0 : i32
    %dma_wait3A_212 = arith.constant 0 : i32
    %dma_wait3A_213 = arith.constant 0 : i32
    %dma_wait3A_214 = tpu.memref_slice %arg9[%dma_wait3A_210, %dma_wait3A_212, %dma_wait3A_213] : memref<10x128x16xf32, #tpu.memory_space<vmem>> -> memref<1x128x16xf32, #tpu.memory_space<vmem>>
    %dma_wait3A_215 = tpu.memref_squeeze %dma_wait3A_214 : memref<1x128x16xf32, #tpu.memory_space<vmem>> -> memref<128x16xf32, #tpu.memory_space<vmem>>
    %dma_wait3A_216 = arith.constant 0 : i32
    %dma_wait3A_217 = tpu.memref_slice %arg8[%dma_wait3A_211, %dma_wait3A_216] : memref<79x128xi32, #tpu.memory_space<vmem>> -> memref<1x128xi32, #tpu.memory_space<vmem>>
    %dma_wait3A_218 = tpu.memref_squeeze %dma_wait3A_217 : memref<1x128xi32, #tpu.memory_space<vmem>> -> memref<128xi32, #tpu.memory_space<vmem>>
    %dma_wait3A_219 = arith.constant 0 : i32
    %dma_wait3A_220 = arith.constant 0 : i32
    %dma_wait3A_221 = tpu.memref_slice %arg10[%dma_wait3A_219, %dma_wait3A_220] : memref<10112x16xf32, #tpu.memory_space<vmem_shared>> -> memref<10112x16xf32, #tpu.memory_space<vmem_shared>>
    tpu.wait_indirect_dma semaphore(%arg13 : memref<!tpu.dma_semaphore, #tpu.memory_space<semaphore_mem>>) src(%dma_wait3A_215 : memref<128x16xf32, #tpu.memory_space<vmem>>) dst(%dma_wait3A_221 : memref<10112x16xf32, #tpu.memory_space<vmem_shared>>)
    %dma_wait3A_222 = arith.constant 0 : i32
    %dma_wait3A_223 = arith.constant 0 : i32
    %dma_wait3A_224 = arith.constant 0 : i32
    %dma_wait3A_225 = arith.constant 0 : i32
    %dma_wait3A_226 = tpu.memref_slice %arg9[%dma_wait3A_222, %dma_wait3A_224, %dma_wait3A_225] : memref<10x128x16xf32, #tpu.memory_space<vmem>> -> memref<1x128x16xf32, #tpu.memory_space<vmem>>
    %dma_wait3A_227 = tpu.memref_squeeze %dma_wait3A_226 : memref<1x128x16xf32, #tpu.memory_space<vmem>> -> memref<128x16xf32, #tpu.memory_space<vmem>>
    %dma_wait3A_228 = arith.constant 0 : i32
    %dma_wait3A_229 = tpu.memref_slice %arg8[%dma_wait3A_223, %dma_wait3A_228] : memref<79x128xi32, #tpu.memory_space<vmem>> -> memref<1x128xi32, #tpu.memory_space<vmem>>
    %dma_wait3A_230 = tpu.memref_squeeze %dma_wait3A_229 : memref<1x128xi32, #tpu.memory_space<vmem>> -> memref<128xi32, #tpu.memory_space<vmem>>
    %dma_wait3A_231 = arith.constant 0 : i32
    %dma_wait3A_232 = arith.constant 0 : i32
    %dma_wait3A_233 = tpu.memref_slice %arg10[%dma_wait3A_231, %dma_wait3A_232] : memref<10112x16xf32, #tpu.memory_space<vmem_shared>> -> memref<10112x16xf32, #tpu.memory_space<vmem_shared>>
    tpu.wait_indirect_dma semaphore(%arg13 : memref<!tpu.dma_semaphore, #tpu.memory_space<semaphore_mem>>) src(%dma_wait3A_227 : memref<128x16xf32, #tpu.memory_space<vmem>>) dst(%dma_wait3A_233 : memref<10112x16xf32, #tpu.memory_space<vmem_shared>>)
    %dma_wait3A_234 = arith.constant 0 : i32
    %dma_wait3A_235 = arith.constant 0 : i32
    %dma_wait3A_236 = arith.constant 0 : i32
    %dma_wait3A_237 = arith.constant 0 : i32
    %dma_wait3A_238 = tpu.memref_slice %arg9[%dma_wait3A_234, %dma_wait3A_236, %dma_wait3A_237] : memref<10x128x16xf32, #tpu.memory_space<vmem>> -> memref<1x128x16xf32, #tpu.memory_space<vmem>>
    %dma_wait3A_239 = tpu.memref_squeeze %dma_wait3A_238 : memref<1x128x16xf32, #tpu.memory_space<vmem>> -> memref<128x16xf32, #tpu.memory_space<vmem>>
    %dma_wait3A_240 = arith.constant 0 : i32
    %dma_wait3A_241 = tpu.memref_slice %arg8[%dma_wait3A_235, %dma_wait3A_240] : memref<79x128xi32, #tpu.memory_space<vmem>> -> memref<1x128xi32, #tpu.memory_space<vmem>>
    %dma_wait3A_242 = tpu.memref_squeeze %dma_wait3A_241 : memref<1x128xi32, #tpu.memory_space<vmem>> -> memref<128xi32, #tpu.memory_space<vmem>>
    %dma_wait3A_243 = arith.constant 0 : i32
    %dma_wait3A_244 = arith.constant 0 : i32
    %dma_wait3A_245 = tpu.memref_slice %arg10[%dma_wait3A_243, %dma_wait3A_244] : memref<10112x16xf32, #tpu.memory_space<vmem_shared>> -> memref<10112x16xf32, #tpu.memory_space<vmem_shared>>
    tpu.wait_indirect_dma semaphore(%arg13 : memref<!tpu.dma_semaphore, #tpu.memory_space<semaphore_mem>>) src(%dma_wait3A_239 : memref<128x16xf32, #tpu.memory_space<vmem>>) dst(%dma_wait3A_245 : memref<10112x16xf32, #tpu.memory_space<vmem_shared>>)
    %dma_wait3A_246 = arith.constant 0 : i32
    %dma_wait3A_247 = arith.constant 0 : i32
    %dma_wait3A_248 = arith.constant 0 : i32
    %dma_wait3A_249 = arith.constant 0 : i32
    %dma_wait3A_250 = tpu.memref_slice %arg9[%dma_wait3A_246, %dma_wait3A_248, %dma_wait3A_249] : memref<10x128x16xf32, #tpu.memory_space<vmem>> -> memref<1x128x16xf32, #tpu.memory_space<vmem>>
    %dma_wait3A_251 = tpu.memref_squeeze %dma_wait3A_250 : memref<1x128x16xf32, #tpu.memory_space<vmem>> -> memref<128x16xf32, #tpu.memory_space<vmem>>
    %dma_wait3A_252 = arith.constant 0 : i32
    %dma_wait3A_253 = tpu.memref_slice %arg8[%dma_wait3A_247, %dma_wait3A_252] : memref<79x128xi32, #tpu.memory_space<vmem>> -> memref<1x128xi32, #tpu.memory_space<vmem>>
    %dma_wait3A_254 = tpu.memref_squeeze %dma_wait3A_253 : memref<1x128xi32, #tpu.memory_space<vmem>> -> memref<128xi32, #tpu.memory_space<vmem>>
    %dma_wait3A_255 = arith.constant 0 : i32
    %dma_wait3A_256 = arith.constant 0 : i32
    %dma_wait3A_257 = tpu.memref_slice %arg10[%dma_wait3A_255, %dma_wait3A_256] : memref<10112x16xf32, #tpu.memory_space<vmem_shared>> -> memref<10112x16xf32, #tpu.memory_space<vmem_shared>>
    tpu.wait_indirect_dma semaphore(%arg13 : memref<!tpu.dma_semaphore, #tpu.memory_space<semaphore_mem>>) src(%dma_wait3A_251 : memref<128x16xf32, #tpu.memory_space<vmem>>) dst(%dma_wait3A_257 : memref<10112x16xf32, #tpu.memory_space<vmem_shared>>)
    %dma_wait3A_258 = arith.constant 0 : i32
    %dma_wait3A_259 = arith.constant 0 : i32
    %dma_wait3A_260 = arith.constant 0 : i32
    %dma_wait3A_261 = arith.constant 0 : i32
    %dma_wait3A_262 = tpu.memref_slice %arg9[%dma_wait3A_258, %dma_wait3A_260, %dma_wait3A_261] : memref<10x128x16xf32, #tpu.memory_space<vmem>> -> memref<1x128x16xf32, #tpu.memory_space<vmem>>
    %dma_wait3A_263 = tpu.memref_squeeze %dma_wait3A_262 : memref<1x128x16xf32, #tpu.memory_space<vmem>> -> memref<128x16xf32, #tpu.memory_space<vmem>>
    %dma_wait3A_264 = arith.constant 0 : i32
    %dma_wait3A_265 = tpu.memref_slice %arg8[%dma_wait3A_259, %dma_wait3A_264] : memref<79x128xi32, #tpu.memory_space<vmem>> -> memref<1x128xi32, #tpu.memory_space<vmem>>
    %dma_wait3A_266 = tpu.memref_squeeze %dma_wait3A_265 : memref<1x128xi32, #tpu.memory_space<vmem>> -> memref<128xi32, #tpu.memory_space<vmem>>
    %dma_wait3A_267 = arith.constant 0 : i32
    %dma_wait3A_268 = arith.constant 0 : i32
    %dma_wait3A_269 = tpu.memref_slice %arg10[%dma_wait3A_267, %dma_wait3A_268] : memref<10112x16xf32, #tpu.memory_space<vmem_shared>> -> memref<10112x16xf32, #tpu.memory_space<vmem_shared>>
    tpu.wait_indirect_dma semaphore(%arg13 : memref<!tpu.dma_semaphore, #tpu.memory_space<semaphore_mem>>) src(%dma_wait3A_263 : memref<128x16xf32, #tpu.memory_space<vmem>>) dst(%dma_wait3A_269 : memref<10112x16xf32, #tpu.memory_space<vmem_shared>>)
    %dma_wait3A_270 = arith.constant 0 : i32
    %dma_wait3A_271 = arith.constant 0 : i32
    %dma_wait3A_272 = arith.constant 0 : i32
    %dma_wait3A_273 = arith.constant 0 : i32
    %dma_wait3A_274 = tpu.memref_slice %arg9[%dma_wait3A_270, %dma_wait3A_272, %dma_wait3A_273] : memref<10x128x16xf32, #tpu.memory_space<vmem>> -> memref<1x128x16xf32, #tpu.memory_space<vmem>>
    %dma_wait3A_275 = tpu.memref_squeeze %dma_wait3A_274 : memref<1x128x16xf32, #tpu.memory_space<vmem>> -> memref<128x16xf32, #tpu.memory_space<vmem>>
    %dma_wait3A_276 = arith.constant 0 : i32
    %dma_wait3A_277 = tpu.memref_slice %arg8[%dma_wait3A_271, %dma_wait3A_276] : memref<79x128xi32, #tpu.memory_space<vmem>> -> memref<1x128xi32, #tpu.memory_space<vmem>>
    %dma_wait3A_278 = tpu.memref_squeeze %dma_wait3A_277 : memref<1x128xi32, #tpu.memory_space<vmem>> -> memref<128xi32, #tpu.memory_space<vmem>>
    %dma_wait3A_279 = arith.constant 0 : i32
    %dma_wait3A_280 = arith.constant 0 : i32
    %dma_wait3A_281 = tpu.memref_slice %arg10[%dma_wait3A_279, %dma_wait3A_280] : memref<10112x16xf32, #tpu.memory_space<vmem_shared>> -> memref<10112x16xf32, #tpu.memory_space<vmem_shared>>
    tpu.wait_indirect_dma semaphore(%arg13 : memref<!tpu.dma_semaphore, #tpu.memory_space<semaphore_mem>>) src(%dma_wait3A_275 : memref<128x16xf32, #tpu.memory_space<vmem>>) dst(%dma_wait3A_281 : memref<10112x16xf32, #tpu.memory_space<vmem_shared>>)
    %dma_wait3A_282 = arith.constant 0 : i32
    %dma_wait3A_283 = arith.constant 0 : i32
    %dma_wait3A_284 = arith.constant 0 : i32
    %dma_wait3A_285 = arith.constant 0 : i32
    %dma_wait3A_286 = tpu.memref_slice %arg9[%dma_wait3A_282, %dma_wait3A_284, %dma_wait3A_285] : memref<10x128x16xf32, #tpu.memory_space<vmem>> -> memref<1x128x16xf32, #tpu.memory_space<vmem>>
    %dma_wait3A_287 = tpu.memref_squeeze %dma_wait3A_286 : memref<1x128x16xf32, #tpu.memory_space<vmem>> -> memref<128x16xf32, #tpu.memory_space<vmem>>
    %dma_wait3A_288 = arith.constant 0 : i32
    %dma_wait3A_289 = tpu.memref_slice %arg8[%dma_wait3A_283, %dma_wait3A_288] : memref<79x128xi32, #tpu.memory_space<vmem>> -> memref<1x128xi32, #tpu.memory_space<vmem>>
    %dma_wait3A_290 = tpu.memref_squeeze %dma_wait3A_289 : memref<1x128xi32, #tpu.memory_space<vmem>> -> memref<128xi32, #tpu.memory_space<vmem>>
    %dma_wait3A_291 = arith.constant 0 : i32
    %dma_wait3A_292 = arith.constant 0 : i32
    %dma_wait3A_293 = tpu.memref_slice %arg10[%dma_wait3A_291, %dma_wait3A_292] : memref<10112x16xf32, #tpu.memory_space<vmem_shared>> -> memref<10112x16xf32, #tpu.memory_space<vmem_shared>>
    tpu.wait_indirect_dma semaphore(%arg13 : memref<!tpu.dma_semaphore, #tpu.memory_space<semaphore_mem>>) src(%dma_wait3A_287 : memref<128x16xf32, #tpu.memory_space<vmem>>) dst(%dma_wait3A_293 : memref<10112x16xf32, #tpu.memory_space<vmem_shared>>)
    %barrier3A_294 = arith.constant 0 : index
    tpu.barrier barrier_id(%barrier3A_294)
    "tpu.region"() ({
      %run_scoped3A = tpu.sem_alloc : memref<!tpu.dma_semaphore, #tpu.memory_space<semaphore_mem>>
      %dma_start3A_295 = arith.constant 0 : i32
      %dma_start3A_296 = tpu.memref_slice %arg6[%arg0, %mul3A_2, %dma_start3A_295] : memref<2x10112x16xf32, #tpu.memory_space<hbm>> -> memref<1x632x16xf32, #tpu.memory_space<hbm>>
      %dma_start3A_297 = tpu.memref_squeeze %dma_start3A_296 : memref<1x632x16xf32, #tpu.memory_space<hbm>> -> memref<632x16xf32, #tpu.memory_space<hbm>>
      %dma_start3A_298 = arith.constant 0 : i32
      %dma_start3A_299 = tpu.memref_slice %arg10[%mul3A_2, %dma_start3A_298] : memref<10112x16xf32, #tpu.memory_space<vmem_shared>> -> memref<632x16xf32, #tpu.memory_space<vmem_shared>>
      tpu.enqueue_dma source(%dma_start3A_299 : memref<632x16xf32, #tpu.memory_space<vmem_shared>>) target(%dma_start3A_297 : memref<632x16xf32, #tpu.memory_space<hbm>>) target_semaphore(%run_scoped3A : memref<!tpu.dma_semaphore, #tpu.memory_space<semaphore_mem>>)
      %dma_wait3A_300 = arith.constant 0 : i32
      %dma_wait3A_301 = tpu.memref_slice %arg6[%arg0, %mul3A_2, %dma_wait3A_300] : memref<2x10112x16xf32, #tpu.memory_space<hbm>> -> memref<1x632x16xf32, #tpu.memory_space<hbm>>
      %dma_wait3A_302 = tpu.memref_squeeze %dma_wait3A_301 : memref<1x632x16xf32, #tpu.memory_space<hbm>> -> memref<632x16xf32, #tpu.memory_space<hbm>>
      %dma_wait3A_303 = arith.constant 0 : i32
      %dma_wait3A_304 = tpu.memref_slice %arg10[%mul3A_2, %dma_wait3A_303] : memref<10112x16xf32, #tpu.memory_space<vmem_shared>> -> memref<632x16xf32, #tpu.memory_space<vmem_shared>>
      tpu.wait_dma2 semaphore(%run_scoped3A : memref<!tpu.dma_semaphore, #tpu.memory_space<semaphore_mem>>) src(%dma_wait3A_304 : memref<632x16xf32, #tpu.memory_space<vmem_shared>>) dst(%dma_wait3A_302 : memref<632x16xf32, #tpu.memory_space<hbm>>)
      tpu.yield
    }) : () -> ()
    return
  }
}

#map = affine_map<(d0, d1) -> (0, 0, 0)>
#map1 = affine_map<(d0, d1) -> (0, 0)>
module attributes {stable_mosaic.version = 14 : i64} {
  func.func @deg_kernel(%arg0: i32, %arg1: i32, %arg2: memref<32x79x128xi32, #tpu.memory_space<hbm>>, %arg3: memref<10112x16xf32, #tpu.memory_space<hbm>>, %arg4: memref<128x16xf32, #tpu.memory_space<hbm>>, %arg5: memref<2x10112x16xf32, #tpu.memory_space<hbm>>, %arg6: memref<79x128xi32, #tpu.memory_space<vmem>>, %arg7: memref<128x16xf32, #tpu.memory_space<vmem>>, %arg8: memref<10112x16xf32, #tpu.memory_space<vmem_shared>>, %arg9: memref<!tpu.dma_semaphore, #tpu.memory_space<semaphore_mem>>) attributes {dimension_semantics = [#tpu.dimension_semantics<core_parallel>, #tpu.dimension_semantics<subcore_parallel>], iteration_bounds = array<i64: 2, 16>, scalar_prefetch = 0 : i64, scratch_operands = 4 : i64, tpu.core_type = #tpu.core_type<sc_vector_subcore>, window_params = [{transform_indices = #map}, {transform_indices = #map1}, {transform_indices = #map1}, {transform_indices = #map}]} {
    %mul3A = arith.constant 2 : i32
    %mul3A_0 = arith.muli %arg1, %mul3A : i32
    %add3A = arith.addi %mul3A_0, %arg0 : i32
    %mul3A_1 = arith.constant 632 : i32
    %mul3A_2 = arith.muli %arg1, %mul3A_1 : i32
    %dma_start3A = arith.constant 0 : i32
    %dma_start3A_3 = tpu.memref_slice %arg8[%mul3A_2, %dma_start3A] : memref<10112x16xf32, #tpu.memory_space<vmem_shared>> -> memref<632x16xf32, #tpu.memory_space<vmem_shared>>
    %dma_start3A_4 = arith.constant 0 : i32
    %dma_start3A_5 = tpu.memref_slice %arg3[%mul3A_2, %dma_start3A_4] : memref<10112x16xf32, #tpu.memory_space<hbm>> -> memref<632x16xf32, #tpu.memory_space<hbm>>
    tpu.enqueue_dma source(%dma_start3A_5 : memref<632x16xf32, #tpu.memory_space<hbm>>) target(%dma_start3A_3 : memref<632x16xf32, #tpu.memory_space<vmem_shared>>) target_semaphore(%arg9 : memref<!tpu.dma_semaphore, #tpu.memory_space<semaphore_mem>>)
    tpu.enqueue_dma source(%arg4 : memref<128x16xf32, #tpu.memory_space<hbm>>) target(%arg7 : memref<128x16xf32, #tpu.memory_space<vmem>>) target_semaphore(%arg9 : memref<!tpu.dma_semaphore, #tpu.memory_space<semaphore_mem>>)
    %dma_start3A_6 = arith.constant 0 : i32
    %dma_start3A_7 = arith.constant 0 : i32
    %dma_start3A_8 = tpu.memref_slice %arg2[%add3A, %dma_start3A_6, %dma_start3A_7] : memref<32x79x128xi32, #tpu.memory_space<hbm>> -> memref<1x79x128xi32, #tpu.memory_space<hbm>>
    %dma_start3A_9 = tpu.memref_squeeze %dma_start3A_8 : memref<1x79x128xi32, #tpu.memory_space<hbm>> -> memref<79x128xi32, #tpu.memory_space<hbm>>
    %dma_start3A_10 = arith.constant 0 : i32
    %dma_start3A_11 = arith.constant 0 : i32
    %dma_start3A_12 = tpu.memref_slice %arg2[%add3A, %dma_start3A_10, %dma_start3A_11] : memref<32x79x128xi32, #tpu.memory_space<hbm>> -> memref<1x79x128xi32, #tpu.memory_space<hbm>>
    %dma_start3A_13 = tpu.memref_squeeze %dma_start3A_12 : memref<1x79x128xi32, #tpu.memory_space<hbm>> -> memref<79x128xi32, #tpu.memory_space<hbm>>
    tpu.enqueue_dma source(%dma_start3A_13 : memref<79x128xi32, #tpu.memory_space<hbm>>) target(%arg6 : memref<79x128xi32, #tpu.memory_space<vmem>>) target_semaphore(%arg9 : memref<!tpu.dma_semaphore, #tpu.memory_space<semaphore_mem>>)
    %dma_wait3A = arith.constant 0 : i32
    %dma_wait3A_14 = tpu.memref_slice %arg8[%mul3A_2, %dma_wait3A] : memref<10112x16xf32, #tpu.memory_space<vmem_shared>> -> memref<632x16xf32, #tpu.memory_space<vmem_shared>>
    %dma_wait3A_15 = arith.constant 0 : i32
    %dma_wait3A_16 = tpu.memref_slice %arg3[%mul3A_2, %dma_wait3A_15] : memref<10112x16xf32, #tpu.memory_space<hbm>> -> memref<632x16xf32, #tpu.memory_space<hbm>>
    tpu.wait_dma2 semaphore(%arg9 : memref<!tpu.dma_semaphore, #tpu.memory_space<semaphore_mem>>) src(%dma_wait3A_16 : memref<632x16xf32, #tpu.memory_space<hbm>>) dst(%dma_wait3A_14 : memref<632x16xf32, #tpu.memory_space<vmem_shared>>)
    tpu.wait_dma2 semaphore(%arg9 : memref<!tpu.dma_semaphore, #tpu.memory_space<semaphore_mem>>) src(%arg4 : memref<128x16xf32, #tpu.memory_space<hbm>>) dst(%arg7 : memref<128x16xf32, #tpu.memory_space<vmem>>)
    %dma_wait3A_17 = arith.constant 0 : i32
    %dma_wait3A_18 = arith.constant 0 : i32
    %dma_wait3A_19 = tpu.memref_slice %arg2[%add3A, %dma_wait3A_17, %dma_wait3A_18] : memref<32x79x128xi32, #tpu.memory_space<hbm>> -> memref<1x79x128xi32, #tpu.memory_space<hbm>>
    %dma_wait3A_20 = tpu.memref_squeeze %dma_wait3A_19 : memref<1x79x128xi32, #tpu.memory_space<hbm>> -> memref<79x128xi32, #tpu.memory_space<hbm>>
    %dma_wait3A_21 = arith.constant 0 : i32
    %dma_wait3A_22 = arith.constant 0 : i32
    %dma_wait3A_23 = tpu.memref_slice %arg2[%add3A, %dma_wait3A_21, %dma_wait3A_22] : memref<32x79x128xi32, #tpu.memory_space<hbm>> -> memref<1x79x128xi32, #tpu.memory_space<hbm>>
    %dma_wait3A_24 = tpu.memref_squeeze %dma_wait3A_23 : memref<1x79x128xi32, #tpu.memory_space<hbm>> -> memref<79x128xi32, #tpu.memory_space<hbm>>
    tpu.wait_dma2 semaphore(%arg9 : memref<!tpu.dma_semaphore, #tpu.memory_space<semaphore_mem>>) src(%dma_wait3A_24 : memref<79x128xi32, #tpu.memory_space<hbm>>) dst(%arg6 : memref<79x128xi32, #tpu.memory_space<vmem>>)
    %barrier3A = arith.constant 0 : index
    tpu.barrier barrier_id(%barrier3A)
    %scan3A = arith.constant 0 : i32
    %scan3A_25 = arith.constant 0 : i32
    %scan3A_26 = arith.constant 79 : i32
    %scan3A_27 = arith.addi %scan3A_25, %scan3A_26 : i32
    %scan3A_28 = arith.constant 1 : i32
    scf.for %scan3A_37 = %scan3A_25 to %scan3A_27 step %scan3A_28  : i32 {
      %dma_start3A_38 = arith.constant 0 : i32
      %dma_start3A_39 = tpu.memref_slice %arg6[%scan3A_37, %dma_start3A_38] : memref<79x128xi32, #tpu.memory_space<vmem>> -> memref<1x128xi32, #tpu.memory_space<vmem>>
      %dma_start3A_40 = tpu.memref_squeeze %dma_start3A_39 : memref<1x128xi32, #tpu.memory_space<vmem>> -> memref<128xi32, #tpu.memory_space<vmem>>
      %dma_start3A_41 = arith.constant 0 : i32
      %dma_start3A_42 = arith.constant 0 : i32
      %dma_start3A_43 = tpu.memref_slice %arg8[%dma_start3A_41, %dma_start3A_42] : memref<10112x16xf32, #tpu.memory_space<vmem_shared>> -> memref<10112x16xf32, #tpu.memory_space<vmem_shared>>
      tpu.enqueue_indirect_dma source(%arg7 : memref<128x16xf32, #tpu.memory_space<vmem>>) target(%dma_start3A_43 : memref<10112x16xf32, #tpu.memory_space<vmem_shared>>) offsets(%dma_start3A_40 : memref<128xi32, #tpu.memory_space<vmem>>) semaphore(%arg9 : memref<!tpu.dma_semaphore, #tpu.memory_space<semaphore_mem>>) {add = true}
    }
    %scan3A_29 = arith.constant 79 : i32
    %scan3A_30 = arith.constant 0 : i32
    %scan3A_31 = arith.constant 0 : i32
    %scan3A_32 = arith.constant 79 : i32
    %scan3A_33 = arith.addi %scan3A_31, %scan3A_32 : i32
    %scan3A_34 = arith.constant 1 : i32
    scf.for %scan3A_37 = %scan3A_31 to %scan3A_33 step %scan3A_34  : i32 {
      %dma_wait3A_38 = arith.constant 0 : i32
      %dma_wait3A_39 = arith.constant 0 : i32
      %dma_wait3A_40 = tpu.memref_slice %arg6[%dma_wait3A_38, %dma_wait3A_39] : memref<79x128xi32, #tpu.memory_space<vmem>> -> memref<1x128xi32, #tpu.memory_space<vmem>>
      %dma_wait3A_41 = tpu.memref_squeeze %dma_wait3A_40 : memref<1x128xi32, #tpu.memory_space<vmem>> -> memref<128xi32, #tpu.memory_space<vmem>>
      %dma_wait3A_42 = arith.constant 0 : i32
      %dma_wait3A_43 = arith.constant 0 : i32
      %dma_wait3A_44 = tpu.memref_slice %arg8[%dma_wait3A_42, %dma_wait3A_43] : memref<10112x16xf32, #tpu.memory_space<vmem_shared>> -> memref<10112x16xf32, #tpu.memory_space<vmem_shared>>
      tpu.wait_indirect_dma semaphore(%arg9 : memref<!tpu.dma_semaphore, #tpu.memory_space<semaphore_mem>>) src(%arg7 : memref<128x16xf32, #tpu.memory_space<vmem>>) dst(%dma_wait3A_44 : memref<10112x16xf32, #tpu.memory_space<vmem_shared>>)
    }
    %scan3A_35 = arith.constant 79 : i32
    %barrier3A_36 = arith.constant 0 : index
    tpu.barrier barrier_id(%barrier3A_36)
    "tpu.region"() ({
      %run_scoped3A = tpu.sem_alloc : memref<!tpu.dma_semaphore, #tpu.memory_space<semaphore_mem>>
      %dma_start3A_37 = arith.constant 0 : i32
      %dma_start3A_38 = tpu.memref_slice %arg5[%arg0, %mul3A_2, %dma_start3A_37] : memref<2x10112x16xf32, #tpu.memory_space<hbm>> -> memref<1x632x16xf32, #tpu.memory_space<hbm>>
      %dma_start3A_39 = tpu.memref_squeeze %dma_start3A_38 : memref<1x632x16xf32, #tpu.memory_space<hbm>> -> memref<632x16xf32, #tpu.memory_space<hbm>>
      %dma_start3A_40 = arith.constant 0 : i32
      %dma_start3A_41 = tpu.memref_slice %arg8[%mul3A_2, %dma_start3A_40] : memref<10112x16xf32, #tpu.memory_space<vmem_shared>> -> memref<632x16xf32, #tpu.memory_space<vmem_shared>>
      tpu.enqueue_dma source(%dma_start3A_41 : memref<632x16xf32, #tpu.memory_space<vmem_shared>>) target(%dma_start3A_39 : memref<632x16xf32, #tpu.memory_space<hbm>>) target_semaphore(%run_scoped3A : memref<!tpu.dma_semaphore, #tpu.memory_space<semaphore_mem>>)
      %dma_wait3A_42 = arith.constant 0 : i32
      %dma_wait3A_43 = tpu.memref_slice %arg5[%arg0, %mul3A_2, %dma_wait3A_42] : memref<2x10112x16xf32, #tpu.memory_space<hbm>> -> memref<1x632x16xf32, #tpu.memory_space<hbm>>
      %dma_wait3A_44 = tpu.memref_squeeze %dma_wait3A_43 : memref<1x632x16xf32, #tpu.memory_space<hbm>> -> memref<632x16xf32, #tpu.memory_space<hbm>>
      %dma_wait3A_45 = arith.constant 0 : i32
      %dma_wait3A_46 = tpu.memref_slice %arg8[%mul3A_2, %dma_wait3A_45] : memref<10112x16xf32, #tpu.memory_space<vmem_shared>> -> memref<632x16xf32, #tpu.memory_space<vmem_shared>>
      tpu.wait_dma2 semaphore(%run_scoped3A : memref<!tpu.dma_semaphore, #tpu.memory_space<semaphore_mem>>) src(%dma_wait3A_46 : memref<632x16xf32, #tpu.memory_space<vmem_shared>>) dst(%dma_wait3A_44 : memref<632x16xf32, #tpu.memory_space<hbm>>)
      tpu.yield
    }) : () -> ()
    return
  }
}

module attributes {stable_mosaic.version = 14 : i64} {
  func.func @body(%arg0: memref<10000x128xf32, #tpu.memory_space<vmem>>, %arg1: memref<2x10112x16xf32, #tpu.memory_space<vmem>>, %arg2: memref<128x16xf32, #tpu.memory_space<vmem>>, %arg3: memref<10112x16xf32, #tpu.memory_space<vmem>>, %arg4: memref<10000x1xf32, #tpu.memory_space<vmem>>) attributes {dimension_semantics = [], scalar_prefetch = 0 : i64, scratch_operands = 0 : i64, tpu.core_type = #tpu.core_type<tc>} {
    %get3A = arith.constant 0 : index
    %get3A_0 = arith.constant 0 : index
    %get3A_1 = arith.constant 0 : index
    %get3A_2 = vector.load %arg1[%get3A, %get3A_0, %get3A_1] : memref<2x10112x16xf32, #tpu.memory_space<vmem>>, vector<2x10112x16xf32>
    %slice3A = vector.extract_strided_slice %get3A_2 {offsets = [0, 0, 0], sizes = [1, 10000, 1], strides = [1, 1, 1]} : vector<2x10112x16xf32> to vector<1x10000x1xf32>
    %squeeze3A = vector.shape_cast %slice3A : vector<1x10000x1xf32> to vector<10000x1xf32>
    %slice3A_3 = vector.extract_strided_slice %get3A_2 {offsets = [1, 0, 0], sizes = [1, 10000, 1], strides = [1, 1, 1]} : vector<2x10112x16xf32> to vector<1x10000x1xf32>
    %squeeze3A_4 = vector.shape_cast %slice3A_3 : vector<1x10000x1xf32> to vector<10000x1xf32>
    %add3A = arith.addf %squeeze3A, %squeeze3A_4 : vector<10000x1xf32>
    %add3A_5 = arith.constant 1.000000e+00 : f32
    %add3A_6 = vector.broadcast %add3A_5 : f32 to vector<10000x1xf32>
    %add3A_7 = arith.addf %add3A, %add3A_6 : vector<10000x1xf32>
    %rsqrt3A = math.rsqrt %add3A_7 : vector<10000x1xf32>
    %swap3A = arith.constant 0 : index
    %swap3A_8 = arith.constant 0 : index
    %swap3A_9 = vector.load %arg4[%swap3A, %swap3A_8] : memref<10000x1xf32, #tpu.memory_space<vmem>>, vector<10000x1xf32>
    tpu.vector_store %arg4[%swap3A, %swap3A_8], %rsqrt3A {strides = array<i32>} : memref<10000x1xf32, #tpu.memory_space<vmem>>, vector<10000x1xf32>,
    %get3A_10 = arith.constant 0 : index
    %get3A_11 = arith.constant 0 : index
    %get3A_12 = vector.load %arg0[%get3A_10, %get3A_11] : memref<10000x128xf32, #tpu.memory_space<vmem>>, vector<10000x128xf32>
    %get3A_13 = arith.constant 0 : index
    %get3A_14 = arith.constant 0 : index
    %get3A_15 = vector.load %arg2[%get3A_13, %get3A_14] : memref<128x16xf32, #tpu.memory_space<vmem>>, vector<128x16xf32>
    %dot_general3A = arith.constant dense<0.000000e+00> : vector<10000x16xf32>
    %dot_general3A_16 = tpu.matmul %get3A_12, %get3A_15, %dot_general3A {dimension_numbers = #tpu.dot_dimension_numbers<[1], [0], [0], [1], [0, 0, 1, 1], [], []>, transpose_lhs_hint = false} : vector<10000x128xf32>, vector<128x16xf32>, vector<10000x16xf32> -> vector<10000x16xf32>
    %mul3A = vector.broadcast %rsqrt3A : vector<10000x1xf32> to vector<10000x16xf32>
    %mul3A_17 = arith.mulf %dot_general3A_16, %mul3A : vector<10000x16xf32>
    %swap3A_18 = arith.constant 0 : index
    %swap3A_19 = arith.constant 0 : index
    %swap3A_20 = vector.load %arg3[%swap3A_18, %swap3A_19] : memref<10112x16xf32, #tpu.memory_space<vmem>>, vector<10000x16xf32>
    tpu.vector_store %arg3[%swap3A_18, %swap3A_19], %mul3A_17 {strides = array<i32>} : memref<10112x16xf32, #tpu.memory_space<vmem>>, vector<10000x16xf32>,
    %broadcast_in_dim3A = arith.constant 0.000000e+00 : f32
    %broadcast_in_dim3A_21 = vector.broadcast %broadcast_in_dim3A : f32 to vector<112x16xf32>
    %swap3A_22 = arith.constant 10000 : index
    %swap3A_23 = arith.constant 0 : index
    %swap3A_24 = vector.load %arg3[%swap3A_22, %swap3A_23] : memref<10112x16xf32, #tpu.memory_space<vmem>>, vector<112x16xf32>
    tpu.vector_store %arg3[%swap3A_22, %swap3A_23], %broadcast_in_dim3A_21 {strides = array<i32>} : memref<10112x16xf32, #tpu.memory_space<vmem>>, vector<112x16xf32>,
    return
  }
}

module attributes {stable_mosaic.version = 14 : i64} {
  func.func @body(%arg0: memref<2x10112x16xf32, #tpu.memory_space<vmem>>, %arg1: memref<10112x16xf32, #tpu.memory_space<vmem>>, %arg2: memref<10000x1xf32, #tpu.memory_space<vmem>>, %arg3: memref<1x16xf32, #tpu.memory_space<vmem>>, %arg4: memref<10112x16xf32, #tpu.memory_space<vmem>>) attributes {dimension_semantics = [], scalar_prefetch = 0 : i64, scratch_operands = 0 : i64, tpu.core_type = #tpu.core_type<tc>} {
    %get3A = arith.constant 0 : index
    %get3A_0 = arith.constant 0 : index
    %get3A_1 = arith.constant 0 : index
    %get3A_2 = vector.load %arg0[%get3A, %get3A_0, %get3A_1] : memref<2x10112x16xf32, #tpu.memory_space<vmem>>, vector<2x10112x16xf32>
    %slice3A = vector.extract_strided_slice %get3A_2 {offsets = [0, 0, 0], sizes = [1, 10000, 16], strides = [1, 1, 1]} : vector<2x10112x16xf32> to vector<1x10000x16xf32>
    %squeeze3A = vector.shape_cast %slice3A : vector<1x10000x16xf32> to vector<10000x16xf32>
    %slice3A_3 = vector.extract_strided_slice %get3A_2 {offsets = [1, 0, 0], sizes = [1, 10000, 16], strides = [1, 1, 1]} : vector<2x10112x16xf32> to vector<1x10000x16xf32>
    %squeeze3A_4 = vector.shape_cast %slice3A_3 : vector<1x10000x16xf32> to vector<10000x16xf32>
    %add3A = arith.addf %squeeze3A, %squeeze3A_4 : vector<10000x16xf32>
    %get3A_5 = arith.constant 0 : index
    %get3A_6 = arith.constant 0 : index
    %get3A_7 = vector.load %arg1[%get3A_5, %get3A_6] : memref<10112x16xf32, #tpu.memory_space<vmem>>, vector<10000x16xf32>
    %add3A_8 = arith.addf %add3A, %get3A_7 : vector<10000x16xf32>
    %get3A_9 = arith.constant 0 : index
    %get3A_10 = arith.constant 0 : index
    %get3A_11 = vector.load %arg2[%get3A_9, %get3A_10] : memref<10000x1xf32, #tpu.memory_space<vmem>>, vector<10000x1xf32>
    %mul3A = vector.broadcast %get3A_11 : vector<10000x1xf32> to vector<10000x16xf32>
    %mul3A_12 = arith.mulf %add3A_8, %mul3A : vector<10000x16xf32>
    %get3A_13 = arith.constant 0 : index
    %get3A_14 = arith.constant 0 : index
    %get3A_15 = vector.load %arg3[%get3A_13, %get3A_14] : memref<1x16xf32, #tpu.memory_space<vmem>>, vector<1x16xf32>
    %add3A_16 = vector.broadcast %get3A_15 : vector<1x16xf32> to vector<10000x16xf32>
    %add3A_17 = arith.addf %mul3A_12, %add3A_16 : vector<10000x16xf32>
    %max3A = arith.constant 0.000000e+00 : f32
    %max3A_18 = vector.broadcast %max3A : f32 to vector<10000x16xf32>
    %max3A_19 = arith.maximumf %add3A_17, %max3A_18 : vector<10000x16xf32>
    %mul3A_20 = vector.broadcast %get3A_11 : vector<10000x1xf32> to vector<10000x16xf32>
    %mul3A_21 = arith.mulf %max3A_19, %mul3A_20 : vector<10000x16xf32>
    %swap3A = arith.constant 0 : index
    %swap3A_22 = arith.constant 0 : index
    %swap3A_23 = vector.load %arg4[%swap3A, %swap3A_22] : memref<10112x16xf32, #tpu.memory_space<vmem>>, vector<10000x16xf32>
    tpu.vector_store %arg4[%swap3A, %swap3A_22], %mul3A_21 {strides = array<i32>} : memref<10112x16xf32, #tpu.memory_space<vmem>>, vector<10000x16xf32>,
    %broadcast_in_dim3A = arith.constant 0.000000e+00 : f32
    %broadcast_in_dim3A_24 = vector.broadcast %broadcast_in_dim3A : f32 to vector<112x16xf32>
    %swap3A_25 = arith.constant 10000 : index
    %swap3A_26 = arith.constant 0 : index
    %swap3A_27 = vector.load %arg4[%swap3A_25, %swap3A_26] : memref<10112x16xf32, #tpu.memory_space<vmem>>, vector<112x16xf32>
    tpu.vector_store %arg4[%swap3A_25, %swap3A_26], %broadcast_in_dim3A_24 {strides = array<i32>} : memref<10112x16xf32, #tpu.memory_space<vmem>>, vector<112x16xf32>,
    return
  }
}

module attributes {stable_mosaic.version = 14 : i64} {
  func.func @body(%arg0: memref<2x10112x16xf32, #tpu.memory_space<vmem>>, %arg1: memref<10112x16xf32, #tpu.memory_space<vmem>>, %arg2: memref<10000x1xf32, #tpu.memory_space<vmem>>, %arg3: memref<16x40xf32, #tpu.memory_space<vmem>>, %arg4: memref<1x40xf32, #tpu.memory_space<vmem>>, %arg5: memref<10000x40xf32, #tpu.memory_space<vmem>>) attributes {dimension_semantics = [], scalar_prefetch = 0 : i64, scratch_operands = 0 : i64, tpu.core_type = #tpu.core_type<tc>} {
    %get3A = arith.constant 0 : index
    %get3A_0 = arith.constant 0 : index
    %get3A_1 = arith.constant 0 : index
    %get3A_2 = vector.load %arg0[%get3A, %get3A_0, %get3A_1] : memref<2x10112x16xf32, #tpu.memory_space<vmem>>, vector<2x10112x16xf32>
    %slice3A = vector.extract_strided_slice %get3A_2 {offsets = [0, 0, 0], sizes = [1, 10000, 16], strides = [1, 1, 1]} : vector<2x10112x16xf32> to vector<1x10000x16xf32>
    %squeeze3A = vector.shape_cast %slice3A : vector<1x10000x16xf32> to vector<10000x16xf32>
    %slice3A_3 = vector.extract_strided_slice %get3A_2 {offsets = [1, 0, 0], sizes = [1, 10000, 16], strides = [1, 1, 1]} : vector<2x10112x16xf32> to vector<1x10000x16xf32>
    %squeeze3A_4 = vector.shape_cast %slice3A_3 : vector<1x10000x16xf32> to vector<10000x16xf32>
    %add3A = arith.addf %squeeze3A, %squeeze3A_4 : vector<10000x16xf32>
    %get3A_5 = arith.constant 0 : index
    %get3A_6 = arith.constant 0 : index
    %get3A_7 = vector.load %arg1[%get3A_5, %get3A_6] : memref<10112x16xf32, #tpu.memory_space<vmem>>, vector<10000x16xf32>
    %add3A_8 = arith.addf %add3A, %get3A_7 : vector<10000x16xf32>
    %get3A_9 = arith.constant 0 : index
    %get3A_10 = arith.constant 0 : index
    %get3A_11 = vector.load %arg2[%get3A_9, %get3A_10] : memref<10000x1xf32, #tpu.memory_space<vmem>>, vector<10000x1xf32>
    %mul3A = vector.broadcast %get3A_11 : vector<10000x1xf32> to vector<10000x16xf32>
    %mul3A_12 = arith.mulf %add3A_8, %mul3A : vector<10000x16xf32>
    %get3A_13 = arith.constant 0 : index
    %get3A_14 = arith.constant 0 : index
    %get3A_15 = vector.load %arg3[%get3A_13, %get3A_14] : memref<16x40xf32, #tpu.memory_space<vmem>>, vector<16x40xf32>
    %dot_general3A = arith.constant dense<0.000000e+00> : vector<10000x40xf32>
    %dot_general3A_16 = tpu.matmul %mul3A_12, %get3A_15, %dot_general3A {dimension_numbers = #tpu.dot_dimension_numbers<[1], [0], [0], [1], [0, 0, 1, 1], [], []>, transpose_lhs_hint = false} : vector<10000x16xf32>, vector<16x40xf32>, vector<10000x40xf32> -> vector<10000x40xf32>
    %get3A_17 = arith.constant 0 : index
    %get3A_18 = arith.constant 0 : index
    %get3A_19 = vector.load %arg4[%get3A_17, %get3A_18] : memref<1x40xf32, #tpu.memory_space<vmem>>, vector<1x40xf32>
    %add3A_20 = vector.broadcast %get3A_19 : vector<1x40xf32> to vector<10000x40xf32>
    %add3A_21 = arith.addf %dot_general3A_16, %add3A_20 : vector<10000x40xf32>
    %reduce_max3A = arith.constant dense<0xFF800000> : vector<10000xf32>
    %reduce_max3A_22 = vector.multi_reduction <maximumf>, %add3A_21, %reduce_max3A [1] : vector<10000x40xf32> to vector<10000xf32>
    %broadcast_in_dim3A = vector.shape_cast %reduce_max3A_22 : vector<10000xf32> to vector<10000x1xf32>
    %sub3A = vector.broadcast %broadcast_in_dim3A : vector<10000x1xf32> to vector<10000x40xf32>
    %sub3A_23 = arith.subf %add3A_21, %sub3A : vector<10000x40xf32>
    %exp3A = math.exp %sub3A_23 : vector<10000x40xf32>
    %reduce_sum3A = arith.constant dense<0.000000e+00> : vector<10000xf32>
    %reduce_sum3A_24 = vector.multi_reduction <add>, %exp3A, %reduce_sum3A [1] : vector<10000x40xf32> to vector<10000xf32>
    %broadcast_in_dim3A_25 = vector.shape_cast %reduce_sum3A_24 : vector<10000xf32> to vector<10000x1xf32>
    %log3A = math.log %broadcast_in_dim3A_25 : vector<10000x1xf32>
    %add3A_26 = arith.addf %log3A, %broadcast_in_dim3A : vector<10000x1xf32>
    %sub3A_27 = vector.broadcast %add3A_26 : vector<10000x1xf32> to vector<10000x40xf32>
    %sub3A_28 = arith.subf %add3A_21, %sub3A_27 : vector<10000x40xf32>
    %swap3A = arith.constant 0 : index
    %swap3A_29 = arith.constant 0 : index
    %swap3A_30 = vector.load %arg5[%swap3A, %swap3A_29] : memref<10000x40xf32, #tpu.memory_space<vmem>>, vector<10000x40xf32>
    tpu.vector_store %arg5[%swap3A, %swap3A_29], %sub3A_28 {strides = array<i32>} : memref<10000x40xf32, #tpu.memory_space<vmem>>, vector<10000x40xf32>,
    return
  }
}

</mosaic_0001>

<sc_bundles>
// kernel: kernel.11.cloned.1.call-start
scs
__scs_entry_jumppad:
0x0: {  	(pc) =	sbr.rel $0x88, $3  }
0x1: {  	(tag) =	ssettag $0x0;
	lr =	simm.s32 $0x1  }
0x2: {  	[smem:$0x3F9B] =	sst lr;
	_ =	strace $0xD0000000  }
0x3: {  	_ = 	snop  }
0x4: {  	_ = 	snop  }
0x5: {  	_ = 	snop  }
0x6: {  	_ = 	snop  }
0x7: {  	_ = 	snop  }
__scs_overlays_trampoline_lowered:
0x8: {  	[smem:$0x3FAA] =	sst s0  }
0x9: {  	[smem:$0x3FAB] =	sst s1  }
0xa: {  	[smem:$0x3FAC] =	sst s2  }
0xb: {  	[smem:$0x3FAD] =	sst s3  }
0xc: {  	[smem:$0x3FAE] =	sst s4  }
0xd: {  	[smem:$0x3FAF] =	sst s5  }
0xe: {  	[smem:$0x3FB0] =	sst s6  }
0xf: {  	[smem:$0x3FB1] =	sst s7  }
0x10: {  	[smem:$0x3FB2] =	sst s8  }
0x11: {  	[smem:$0x3FB3] =	sst s9;
	s0 =	simm.s32 @!p0 $0x0  }
0x12: {  	s1 =	sld [smem:$0x3F99];
	s0 =	simm.s32 @p0 $0x1  }
0x13: {  	[smem:$0x3FB4] =	sst s0;
	s0 =	simm.s32 @!p1 $0x0  }
0x14: {  	s2 =	sld [smem:$0x3F98];
	s0 =	simm.s32 @p1 $0x1  }
0x15: {  	[smem:$0x3FB5] =	sst s0;
	s0 =	simm.s32 @!p2 $0x0  }
0x16: {  	s3 =	sld [smem:$0x3FDB];
	s0 =	simm.s32 @p2 $0x1  }
0x17: {  	s4 =	simm.s32 $0x1BF5;
	[smem:$0x3FB7] =	sst s0  }
0x18: {  	s0 =	sld [smem:$0x3F9A];
	_ =	swait.ge [sflag:s4], $0x0  }
0x19: {  	s7 =	sld [smem:$0x3F9B]  }
0x1a: {  	s8 =	sadd.s32 $0xFFFFE003, lr  }
0x1b: {  	s9 =	sadd.s32 $0xFFFFFEF7, lr;
	s5 =	simm.s32 $0xFFFFFFFF;
	p2 =	slt.u32 s8, $0xFFFFF086  }
0x1c: {  	p1 =	slt.u32 s9, $0xF7A;
	s5 =	simm.s32 @!p2 $0x0  }
0x1d: {  	s5 =	simm.s32 @p1 $0x1;
	p0 =	seq.s32 s7, s2  }
0x1e: {  	s7 =	smul.u32 @!p0 $0xF7A, s2;
	p2 =	seq.s32 @!p0 s5, $0x0  }
0x1f: {  	s9 =	smul.u32 $0xF7A, s1;
	s8 =	simm.s32 @!p0 $0x1BF5;
	p2 =	por !p2, p0  }
0x20: {  	[sflag:s8] =	ssyncset.s32 @!p0 $0xFFFFF086;
	s6 =	sadd.s32 @!p0 s3, s7;
	s7 =	simm.s32 @!p0 $0x108  }
0x21: {  	s3 =	sadd.s32 s3, s9;
	s6 =	sadd.s32 @!p0 $0x88, s6;
	s7 =	simm.s32 @p2 $0x1082  }
0x22: {  	[simem:s7], [sflag:s8] =	dma.local @!p0 [hbm:s6], $0xF7A  }
0x23: {  	s9 =	sor.u32 $0xD0000000, s2;
	s6 =	simm.s32 $0x108;
	_ =	swait.ge @!p0 [sflag:s8], $0x0  }
0x24: {  	s3 =	sadd.s32 $0x88, s3;
	s6 =	simm.s32 @!p1 $0x1082;
	[sflag:s4] =	ssyncset.s32 $0xFFFFF086  }
0x25: {  	[simem:s6], [sflag:s4] =	dma.local [hbm:s3], $0xF7A  }
0x26: {  	[smem:$0x3F9B] =	sst s1;
	(tag) =	ssettag s2;
	_ =	strace s9  }
0x27: {  	s1 =	sld [smem:$0x3FAB]  }
0x28: {  	s2 =	sld [smem:$0x3FAC]  }
0x29: {  	s4 =	sld [smem:$0x3FAE]  }
0x2a: {  	p0 =	seq.s32 s5, $0x0;
	s5 =	sld [smem:$0x3FAF]  }
0x2b: {  	s6 =	sld [smem:$0x3FB0]  }
0x2c: {  	s7 =	sld [smem:$0x3FB1]  }
0x2d: {  	s3 =	simm.s32 $0x108;
	s8 =	sld [smem:$0x3FB2]  }
0x2e: {  	s3 =	simm.s32 @!p0 $0x1082;
	s9 =	sld [smem:$0x3FB3]  }
0x2f: {  	lr =	sadd.s32 s0, s3;
	s0 =	sld [smem:$0x3FAA]  }
0x30: {  	s3 =	sld [smem:$0x3FAD]  }
0x31: {  	[smem:$0x3FB6] =	sst s10  }
0x32: {  	s10 =	sld [smem:$0x3FB4];
	_ =	sdelay $0x3  }
0x33: {  	p0 =	seq.s32 s10, $0x1;
	s10 =	sld [smem:$0x3FB6];
	_ =	sdelay $0x3  }
0x34: {  	[smem:$0x3FB6] =	sst s10  }
0x35: {  	s10 =	sld [smem:$0x3FB5];
	_ =	sdelay $0x3  }
0x36: {  	p1 =	seq.s32 s10, $0x1;
	s10 =	sld [smem:$0x3FB6];
	_ =	sdelay $0x3  }
0x37: {  	[smem:$0x3FB6] =	sst s10  }
0x38: {  	s10 =	sld [smem:$0x3FB7]  }
0x39: {  	_ = 	snop;
	(pc) =	sbr.ind lr, $3  }
0x3a: {  	_ = 	snop  }
0x3b: {  	_ = 	snop  }
0x3c: {  	p2 =	seq.s32 s10, $0x1;
	s10 =	sld [smem:$0x3FB6]  }
0x3d: {  	_ =	shalt  }
0x3e: {  	_ =	shalt  }
0x3f: {  	_ =	shalt  }
0x40: {  	_ =	shalt  }
0x41: {  	_ =	shalt  }
0x42: {  	_ =	shalt  }
0x43: {  	_ =	shalt  }
0x44: {  	_ =	shalt  }
0x45: {  	_ =	shalt  }
0x46: {  	_ =	shalt  }
0x47: {  	_ =	shalt  }
0x48: {  	_ =	shalt  }
0x49: {  	_ =	shalt  }
0x4a: {  	_ =	shalt  }
0x4b: {  	_ =	shalt  }
0x4c: {  	_ =	shalt  }
0x4d: {  	_ =	shalt  }
0x4e: {  	_ =	shalt  }
0x4f: {  	_ =	shalt  }
0x50: {  	_ =	shalt  }
0x51: {  	_ =	shalt  }
0x52: {  	_ =	shalt  }
0x53: {  	_ =	shalt  }
0x54: {  	_ =	shalt  }
0x55: {  	_ =	shalt  }
0x56: {  	_ =	shalt  }
0x57: {  	_ =	shalt  }
0x58: {  	_ =	shalt  }
0x59: {  	_ =	shalt  }
0x5a: {  	_ =	shalt  }
0x5b: {  	_ =	shalt  }
0x5c: {  	_ =	shalt  }
0x5d: {  	_ =	shalt  }
0x5e: {  	_ =	shalt  }
0x5f: {  	_ =	shalt  }
0x60: {  	_ =	shalt  }
0x61: {  	_ =	shalt  }
0x62: {  	_ =	shalt  }
0x63: {  	_ =	shalt  }
0x64: {  	_ =	shalt  }
0x65: {  	_ =	shalt  }
0x66: {  	_ =	shalt  }
0x67: {  	_ =	shalt  }
0x68: {  	_ =	shalt  }
0x69: {  	_ =	shalt  }
0x6a: {  	_ =	shalt  }
0x6b: {  	_ =	shalt  }
0x6c: {  	_ =	shalt  }
0x6d: {  	_ =	shalt  }
0x6e: {  	_ =	shalt  }
0x6f: {  	_ =	shalt  }
0x70: {  	_ =	shalt  }
0x71: {  	_ =	shalt  }
0x72: {  	_ =	shalt  }
0x73: {  	_ =	shalt  }
0x74: {  	_ =	shalt  }
0x75: {  	_ =	shalt  }
0x76: {  	_ =	shalt  }
0x77: {  	_ =	shalt  }
0x78: {  	_ =	shalt  }
0x79: {  	_ =	shalt  }
0x7a: {  	_ =	shalt  }
0x7b: {  	_ =	shalt  }
0x7c: {  	_ =	shalt  }
0x7d: {  	_ =	shalt  }
0x7e: {  	_ =	shalt  }
0x7f: {  	_ =	shalt  }
0x80: {  	_ =	shalt  }
0x81: {  	_ =	shalt  }
0x82: {  	_ =	shalt  }
0x83: {  	_ =	shalt  }
0x84: {  	_ =	shalt  }
0x85: {  	_ =	shalt  }
0x86: {  	_ =	shalt  }
0x87: {  	_ =	shalt  }
.Lfunc_end0:
.L_simem_size_0:
called_computation.1_lowered:
.L_overlay_start_0:
0x88: {  	s2 =	sld [smem:$0x3FD9]  }
0x89: {  	s3 =	sld [smem:$0x3FFE];
	_ =	sdelay $0x1  }
0x8a: {  	s1 =	srdreg.scid  }
0x8b: {  	s0 =	sand.u32 $0x1, s1  }
0x8c: {  	s17 =	sshll.u32 s0, $0xA;
	s2 =	sadd.s32 s3, s2  }
0x8d: {  	s2 =	sadd.s32 s2, s17  }
0x8e: {  	[smem:$0x3FC2] =	sst s2  }
0x8f: {  	_ = 	snop  }
0x90: {  	s2 =	sld [smem:$0x3FD0];
	(tm) =	ssettm $0x1  }
0x91: {  	s18 =	sld [smem:$0x3FFB];
	_ =	sdelay $0x3  }
0x92: {  	_ =	strace s18  }
0x93: {  	s3 =	sld [smem:$0x3FFC];
	_ =	sdelay $0x3  }
0x94: {  	_ =	strace s3  }
0x95: {  	s3 =	sld [smem:$0x3FFD];
	_ =	sdelay $0x3  }
0x96: {  	_ =	strace s3  }
0x97: {  	_ =	strace $0x8FFFFFFF  }
0x98: {  	s19 =	sld [smem:$0x3FDB];
	_ =	sdelay $0x1  }
0x99: {  	s4 =	simm.s32 $_scs_section_size  }
0x9a: {  	s5 =	simm.s32 $_size__tile_overlayer_lowered;
	s6 =	simm.s32 $_tile_overlayer_lowered  }
0x9b: {  	s22 =	simm.s32 $0x1BFF;
	s21 =	sshll.u32 s6, $0x1;
	s3 =	sadd.s32 s4, s19  }
0x9c: {  	s7 =	simm.s32 $0x0;
	s20 =	sshll.u32 s5, $0x1;
	s5 =	sadd.s32 s21, s3  }
0x9d: {  	[timem:s7], [sflag:s22] =	dma.local [hbm:s5], s20  }
0x9e: {  	_ =	swait.ge [sflag:s22], s20  }
0x9f: {  	s4 =	ssub.s32 $0x0, s20;
	[sflag:s22] =	ssyncset.done $0x0  }
0xa0: {  	[sflag:s22] =	ssyncadd.s32 s4;
	_ =	sdelay $0x1  }
0xa1: {  	s23 =	simm.s32 $0x1B8B  }
0xa2: {  	_ =	swait.ge [sflag:s23], $0x1  }
0xa3: {  	[sflag:s23] =	ssyncset.done $0x0  }
0xa4: {  	s25 =	simm.s32 $0x1B8E;
	s24 =	sld [smem:$0x3FFE];
	[sflag:s23] =	ssyncadd.s32 $0xFFFFFFFF  }
0xa5: {  	s26 =	simm.s32 $execute0_lowered;
	[smem:$0x3FD2] =	sst s25  }
0xa6: {  	s5 =	sshll.u32 s26, $0x1;
	_ =	strace $0x80000049;
	[dreg:$0x1] =	wrdreg $0xFFFFFFFF  }
0xa7: {  	s28 =	simm.s32 $_size_execute0_lowered;
	s3 =	sadd.s32 s3, s5;
	[dreg:$0x0] =	wrdreg $0x0  }
0xa8: {  	s5 =	sshll.u32 s28, $0x1;
	[dreg:$0x2] =	wrdreg s3  }
0xa9: {  	[dreg:$0x3] =	wrdreg s5  }
0xaa: {  	[dreg:$0x4] =	wrdreg $0xC0  }
0xab: {  	_ =	task [dreg:s7], $0x5FFFF  }
0xac: {  	[dreg:$0x1] =	wrdreg $0xFFFFFFFF  }
0xad: {  	[dreg:$0x0] =	wrdreg $0x60  }
0xae: {  	[dreg:$0x2] =	wrdreg s24  }
0xaf: {  	[dreg:$0x3] =	wrdreg s2  }
0xb0: {  	[dreg:$0x4] =	wrdreg $0x9F000  }
0xb1: {  	[dreg:$0x5] =	wrdreg $0xC6800  }
0xb2: {  	[dreg:$0x6] =	wrdreg $0x9  }
0xb3: {  	_ =	task.clear_ibuf [dreg:s7], $0x7FFFF;
	_ =	strace $0x90000049  }
0xb4: {  	s29 =	simm.s32 $0x9;
	_ =	strace $0x8000004B  }
0xb5: {  	_ =	swait.ge [sflag:s29], $0x1  }
0xb6: {  	[sflag:s29] =	ssyncadd.s32 $0xFFFFFFFF  }
0xb7: {  	_ =	strace $0x9000004B  }
0xb8: {  	_ =	sfence  }
0xb9: {  	s30 =	sld [smem:$0x0];
	_ =	sdelay $0x2  }
0xba: {  	s31 =	sshll.u32 s1, $0xD;
	s1 =	sshrl.u32 s1, $0x2  }
0xbb: {  	s3 =	sand.u32 $0x4000, s31;
	s1 =	sadd.s32 s1, s30  }
0xbc: {  	s0 =	sor.u32 s3, s0;
	s1 =	sshll.u32 s1, $0x11  }
0xbd: {  	s0 =	sor.u32 s1, s0  }
0xbe: {  	s0 =	sadd.s32 $0x8F2B, s0  }
0xbf: {  	[sflag:s0] =	ssyncadd.remote.s32 $0x1  }
0xc0: {  	_ =	sfence.sel $0xFFFF  }
0xc1: {  	[dreg:$0x0] =	wrdreg $0xFFFFFFFF;
	(pc) =	sbr.abs _section_cstart, $3  }
0xc2: {  	[dreg:$0x1] =	wrdreg $0xFFFFFFFF  }
0xc3: {  	_ =	task.clear_ibuf [dreg:s7], $0x2FFFF;
	_ =	strace $0x9FFFFFFF  }
0xc4: {  	(tm) =	ssettm $0x7FFFFFFF  }
0xc5: {  	_ =	shalt  }
tec
execute0_lowered:
.L_overlay_start_1:
0x0: {  	(tag) =	ssettag $0x1  }
0x1: {  	s0 =	rddreg [dreg:$0x0]  }
0x2: {  	s1 =	rddreg [dreg:$0x1]  }
0x3: {  	s2 =	rddreg [dreg:$0x2]  }
0x4: {  	s3 =	rddreg [dreg:$0x3]  }
0x5: {  	s4 =	simm.s32 $0x0;
	s13 =	stileid.u32;
	s5 =	srdreg.scid  }
0x6: {  	s15 =	simm.s32 $0x1;
	s16 =	simm.s32 $0x80;
	s17 =	simm.s32 $0x9700  }
0x7: {  	s18 =	simm.s32 $0x2;
	s19 =	simm.s32 $0x3;
	s20 =	simm.s32 $0x0  }
0x8: {  	s8 =	smul.u32 $0x2780, s13;
	s5 =	sand.u32 $0x1, s5;
	s6 =	sshll.u32 s13, $0x1  }
0x9: {  	[smem:$0x7FF] =	sst s4;
	s6 =	sor.u32 s5, s6;
	s7 =	smul.u32 $0x27800, s5  }
0xa: {  	_ =	strace $0x8000004A;
	s5 =	ssub.s32 $0x2, s5;
	s9 =	sshrl.u32 s8, $0x3  }
0xb: {  	s10 =	smul.u32 $0x4F0, s6;
	s30 =	sshrl.u32 s5, $0x1;
	s31 =	sadd.s32 s8, s2  }
0xc: {  	s14 =	sadd.s32 s8, s3;
	s9 =	sadd.s32 s9, s0;
	s29 =	sadd.s32 s8, s7  }
0xd: {  	s12 =	ssub.s32 s5, s30;
	s5 =	sshll.u32 s13, $0x6;
	s13 =	sshrl.u32 s31, $0x3  }
0xe: {  	s14 =	sshrl.u32 s14, $0x3;
	s11 =	sadd.s32 s10, s0;
	s6 =	sshrl.u32 s29, $0x3  }
0xf: {  	s7 =	sor.u32 $0x1C01, s5;
	s8 =	sadd.s32 $0x6800, s9;
	s10 =	sadd.s32 s1, s10  }
0x10: {  	s12 =	smax.u32 s12, $0x1;
	s1 =	simm.s32 $0x480;
	s0 =	sadd.s32 s6, s0  }
0x11: {  	s6 =	sadd.s32 $0x1800, s9;
	s9 =	sadd.s32 $0x10600, s11;
	s11 =	sadd.s32 $0x1A400, s0  }
.LBB2_1:
0x12: {  	[spmem:s13], [sflag:s7] =	dma.local [hbm:s6], $0x4F0  }
0x13: {  	[spmem:s14], [sflag:s7] =	dma.local [hbm:s8], $0x4F0  }
0x14: {  	[tilespmem:s4], [sflag:$0x1] =	stream.linear.gather [hbm4b:s9+s4], $0x2780, $0x38;
	[tilespmem:$0xEE00] =	vst v63  }
0x15: {  	s21 =	simm.s32 $0x2780  }
0x16: {  	[tilespmem:s21], [sflag:$0x1] =	stream.linear.gather [hbm4b:s10+s4], $0x2780, $0x38;
	[tilespmem:$0xEE00] =	vst v63  }
0x17: {  	_ =	swait.ge [sflag:s15], $0x4F0  }
0x18: {  	[sflag:s15] =	ssyncset.done $0x0  }
0x19: {  	[sflag:s15] =	ssyncadd.s32 $0xFFFFFB10  }
0x1a: {  	_ =	swait.ge [sflag:s15], $0x4F0  }
0x1b: {  	[sflag:s15] =	ssyncset.done $0x0  }
0x1c: {  	[sflag:s15] =	ssyncadd.s32 $0xFFFFFB10  }
0x1d: {  	_ =	swait.ge [sflag:s15], $0x2780  }
0x1e: {  	[sflag:s15] =	ssyncset.done $0x0  }
0x1f: {  	[sflag:s15] =	ssyncadd.s32 $0xFFFFD880  }
0x20: {  	_ =	swait.ge [sflag:s15], $0x2780  }
0x21: {  	[sflag:s15] =	ssyncset.done $0x0  }
0x22: {  	[sflag:s15] =	ssyncadd.s32 $0xFFFFD880  }
0x23: {  	s0 =	simm.s32 $0x4F00;
	[bflag:$0x0] =	sbarrier.arrive $0xFFFF  }
0x24: {  	[tilespmem:s0], [sflag:$0x1] =	stream.indirect.gather [spmem:s3], $0x10, s4, s16, $0xb8;
	[tilespmem:$0xEE00] =	vst v63  }
0x25: {  	s23 =	simm.s32 $0x5700  }
0x26: {  	[tilespmem:s23], [sflag:$0x1] =	stream.indirect.gather [spmem:s3], $0x10, s16, s16, $0xb8;
	[tilespmem:$0xEE00] =	vst v63  }
0x27: {  	s24 =	simm.s32 $0x100;
	s22 =	simm.s32 $0x5F00  }
0x28: {  	[tilespmem:s22], [sflag:$0x1] =	stream.indirect.gather [spmem:s3], $0x10, s24, s16, $0xb8;
	[tilespmem:$0xEE00] =	vst v63  }
0x29: {  	s25 =	simm.s32 $0x180;
	s26 =	simm.s32 $0x6700  }
0x2a: {  	[tilespmem:s26], [sflag:$0x1] =	stream.indirect.gather [spmem:s3], $0x10, s25, s16, $0xb8;
	[tilespmem:$0xEE00] =	vst v63  }
0x2b: {  	s30 =	simm.s32 $0x200;
	s31 =	simm.s32 $0x6F00  }
0x2c: {  	[tilespmem:s31], [sflag:$0x1] =	stream.indirect.gather [spmem:s3], $0x10, s30, s16, $0xb8;
	[tilespmem:$0xEE00] =	vst v63  }
0x2d: {  	s23 =	simm.s32 $0x280;
	s24 =	simm.s32 $0x7700  }
0x2e: {  	[tilespmem:s24], [sflag:$0x1] =	stream.indirect.gather [spmem:s3], $0x10, s23, s16, $0xb8;
	[tilespmem:$0xEE00] =	vst v63  }
0x2f: {  	s25 =	simm.s32 $0x300;
	s26 =	simm.s32 $0x7F00  }
0x30: {  	[tilespmem:s26], [sflag:$0x1] =	stream.indirect.gather [spmem:s3], $0x10, s25, s16, $0xb8;
	[tilespmem:$0xEE00] =	vst v63  }
0x31: {  	s22 =	simm.s32 $0x380;
	s30 =	simm.s32 $0x8700  }
0x32: {  	[tilespmem:s30], [sflag:$0x1] =	stream.indirect.gather [spmem:s3], $0x10, s22, s16, $0xb8;
	[tilespmem:$0xEE00] =	vst v63  }
0x33: {  	p0 =	por $0x1, $0x1;
	s31 =	simm.s32 $0x400;
	s23 =	simm.s32 $0x8F00  }
0x34: {  	[tilespmem:s23], [sflag:$0x1] =	stream.indirect.gather [spmem:s3], $0x10, s31, s16, $0xb8;
	[tilespmem:$0xEE00] =	vst v63  }
0x35: {  	s23 =	simm.s32 @!p0 $0x7  }
0x36: {  	s23 =	smul.u32 @!p0 $0xCD, s23  }
0x37: {  	s26 =	simm.s32 $0x0  }
0x38: {  	s26 =	smul.u32 $0xCD, s26;
	s23 =	sshrl.u32 @!p0 s23, $0xB  }
0x39: {  	s28 =	simm.s32 @!p0 $0x2;
	s23 =	sand.u32 @!p0 $0x1F, s23  }
0x3a: {  	s29 =	simm.s32 @!p0 $0x80;
	s26 =	sshrl.u32 s26, $0xB;
	s23 =	smul.u32 @!p0 $0xA, s23  }
0x3b: {  	[tilespmem:s17], [sflag:$0x1] =	stream.indirect.gather [spmem:s3], $0x10, s1, s16, $0xb8;
	[tilespmem:$0xEE00] =	vst v63  }
0x3c: {  	s24 =	simm.s32 $0xFFFFFFFE;
	s26 =	sand.u32 $0x1F, s26;
	s23 =	ssub.s32 @!p0 $0x7, s23  }
0x3d: {  	s26 =	smul.u32 $0xA, s26;
	_ =	swait.ge @!p0 [sflag:s28], $0x800;
	s23 =	sand.u32 @!p0 $0xFF, s23  }
0x3e: {  	s25 =	simm.s32 $0xFFFFFFFF;
	[sflag:s28] =	ssyncset.done @!p0 $0x0;
	s30 =	sshll.u32 @!p0 s23, $0xB  }
0x3f: {  	s26 =	ssub.s32 $0x0, s26;
	[sflag:s28] =	ssyncadd.s32 @!p0 $0xFFFFF800;
	s28 =	sadd.s32 @!p0 $0x4F00, s30  }
0x40: {  	[tilespmem:s28], [sflag:$0x1] =	stream.indirect.gather @!p0 [spmem:s3], $0x10, s22, s29, $0xb8;
	[tilespmem:$0xEE00] =	vst v63  }
0x41: {  	s23 =	simm.s32 $0x400;
	s22 =	simm.s32 $0x2800;
	p0 =	por $0x1, $0x1  }
0x42: {  	s29 =	sand.u32 $0xFF, s26;
	_ =	swait.ge [sflag:s15], $0x800;
	s28 =	simm.s32 @!p0 $0x8  }
0x43: {  	s26 =	simm.s32 @!p0 $0x2;
	s29 =	sshll.u32 s29, $0xB;
	[sflag:s15] =	ssyncset.done $0x0  }
.LBB2_2:
0x44: {  	s30 =	smul.u32 @!p0 $0xCD, s28;
	s29 =	sadd.s32 $0x4F00, s29;
	[sflag:s15] =	ssyncadd.s32 $0xFFFFF800  }
0x45: {  	[spmem:s2] =	stream.indirect.scatter.add.f32 [tilespmem:s29], [sflag:$0x2], $0x10, s21, s16, $0xb8;
	[tilespmem:$0xEE00] =	vst v63  }
0x46: {  	s29 =	smov.u32 s25  }
0x47: {  	s25 =	sadd.s32 $0x1, s25;
	s21 =	sshrl.u32 @!p0 s30, $0xB;
	s30 =	sadd.s32 $0x3, s24  }
0x48: {  	p1 =	sne.s32 s25, $0x4C;
	s21 =	sand.u32 @!p0 $0x1F, s21;
	s0 =	smul.u32 $0xCD, s30  }
0x49: {  	s24 =	smov.u32 s29;
	s29 =	smov.u32 s23;
	s31 =	smul.u32 @!p0 $0xA, s21  }
0x4a: {  	s23 =	sadd.s32 $0x80, s23;
	s21 =	smov.u32 s22  }
0x4b: {  	s0 =	sshrl.u32 s0, $0xB;
	s28 =	ssub.s32 @!p0 s28, s31;
	s31 =	simm.s32 @!p0 $0x80  }
0x4c: {  	s0 =	sand.u32 $0x1F, s0;
	_ =	swait.ge @!p0 [sflag:s26], $0x800;
	s28 =	sand.u32 @!p0 $0xFF, s28  }
0x4d: {  	s0 =	smul.u32 $0xA, s0;
	[sflag:s26] =	ssyncset.done @!p0 $0x0;
	s28 =	sshll.u32 @!p0 s28, $0xB  }
.Ltmp0:
0x4e: {  	[sflag:s26] =	ssyncadd.s32 @!p0 $0xFFFFF800;
	s26 =	sadd.s32 @!p0 $0x4F00, s28;
	(pc) =	sbr.rel @p1 .LBB2_2-.Ltmp0, $4  }
0x4f: {  	[tilespmem:s26], [sflag:$0x1] =	stream.indirect.gather @!p0 [spmem:s3], $0x10, s29, s31, $0xb8;
	[tilespmem:$0xEE00] =	vst v63  }
0x50: {  	s22 =	sadd.s32 $0x80, s22;
	s0 =	ssub.s32 s30, s0;
	_ =	swait.ge [sflag:s15], $0x800  }
0x51: {  	p0 =	sgt.u32 s24, $0x44;
	s0 =	sand.u32 $0xFF, s0;
	[sflag:s15] =	ssyncset.done $0x0  }
0x52: {  	s28 =	sadd.s32 @!p0 $0xA, s24;
	s26 =	simm.s32 @!p0 $0x2;
	s29 =	sshll.u32 s0, $0xB  }
0x53: {  	s0 =	smul.u32 @!p0 $0xCD, s28;
	s25 =	sadd.s32 $0x4F00, s29;
	[sflag:s15] =	ssyncadd.s32 $0xFFFFF800  }
0x54: {  	[spmem:s2] =	stream.indirect.scatter.add.f32 [tilespmem:s25], [sflag:$0x2], $0x10, s21, s16, $0xb8;
	[tilespmem:$0xEE00] =	vst v63  }
0x55: {  	s29 =	sadd.s32 $0x3, s24;
	s0 =	sshrl.u32 @!p0 s0, $0xB  }
0x56: {  	s24 =	smul.u32 $0xCD, s29;
	s0 =	sand.u32 @!p0 $0x1F, s0  }
0x57: {  	s0 =	smul.u32 @!p0 $0xA, s0  }
0x58: {  	s24 =	sshrl.u32 s24, $0xB  }
0x59: {  	s24 =	sand.u32 $0x1F, s24;
	s0 =	ssub.s32 @!p0 s28, s0  }
0x5a: {  	_ =	swait.ge @!p0 [sflag:s26], $0x800;
	s24 =	smul.u32 $0xA, s24;
	s0 =	sand.u32 @!p0 $0xFF, s0  }
0x5b: {  	s25 =	simm.s32 @!p0 $0x80;
	[sflag:s26] =	ssyncset.done @!p0 $0x0;
	s0 =	sshll.u32 @!p0 s0, $0xB  }
0x5c: {  	[sflag:s26] =	ssyncadd.s32 @!p0 $0xFFFFF800;
	s30 =	ssub.s32 s29, s24;
	s0 =	sadd.s32 @!p0 $0x4F00, s0  }
0x5d: {  	[tilespmem:s0], [sflag:$0x1] =	stream.indirect.gather @!p0 [spmem:s3], $0x10, s23, s25, $0xb8;
	[tilespmem:$0xEE00] =	vst v63  }
0x5e: {  	s0 =	sand.u32 $0xFF, s30;
	_ =	swait.ge [sflag:s15], $0x800  }
0x5f: {  	s0 =	sshll.u32 s0, $0xB;
	[sflag:s15] =	ssyncset.done $0x0  }
0x60: {  	s0 =	sadd.s32 $0x4F00, s0;
	[sflag:s15] =	ssyncadd.s32 $0xFFFFF800  }
0x61: {  	[spmem:s2] =	stream.indirect.scatter.add.f32 [tilespmem:s0], [sflag:$0x2], $0x10, s22, s16, $0xb8;
	[tilespmem:$0xEE00] =	vst v63  }
0x62: {  	_ =	swait.ge [sflag:s18], $0x800  }
0x63: {  	[sflag:s18] =	ssyncset.done $0x0  }
0x64: {  	[sflag:s18] =	ssyncadd.s32 $0xFFFFF800  }
0x65: {  	_ =	swait.ge [sflag:s18], $0x800  }
0x66: {  	[sflag:s18] =	ssyncset.done $0x0  }
0x67: {  	[sflag:s18] =	ssyncadd.s32 $0xFFFFF800  }
0x68: {  	_ =	swait.ge [sflag:s18], $0x800  }
0x69: {  	[sflag:s18] =	ssyncset.done $0x0  }
0x6a: {  	[sflag:s18] =	ssyncadd.s32 $0xFFFFF800  }
0x6b: {  	_ =	swait.ge [sflag:s18], $0x800  }
0x6c: {  	[sflag:s18] =	ssyncset.done $0x0  }
0x6d: {  	[sflag:s18] =	ssyncadd.s32 $0xFFFFF800  }
0x6e: {  	_ =	swait.ge [sflag:s18], $0x800  }
0x6f: {  	[sflag:s18] =	ssyncset.done $0x0  }
0x70: {  	[sflag:s18] =	ssyncadd.s32 $0xFFFFF800  }
0x71: {  	_ =	swait.ge [sflag:s18], $0x800  }
0x72: {  	[sflag:s18] =	ssyncset.done $0x0  }
0x73: {  	[sflag:s18] =	ssyncadd.s32 $0xFFFFF800  }
0x74: {  	_ =	swait.ge [sflag:s18], $0x800  }
0x75: {  	[sflag:s18] =	ssyncset.done $0x0  }
0x76: {  	[sflag:s18] =	ssyncadd.s32 $0xFFFFF800  }
0x77: {  	_ =	swait.ge [sflag:s18], $0x800  }
0x78: {  	[sflag:s18] =	ssyncset.done $0x0  }
0x79: {  	[sflag:s18] =	ssyncadd.s32 $0xFFFFF800  }
0x7a: {  	_ =	swait.ge [sflag:s18], $0x800  }
0x7b: {  	[sflag:s18] =	ssyncset.done $0x0  }
0x7c: {  	[sflag:s18] =	ssyncadd.s32 $0xFFFFF800  }
0x7d: {  	_ =	swait.ge [sflag:s18], $0x800  }
0x7e: {  	s20 =	sadd.s32 $0x1, s20;
	[sflag:s18] =	ssyncset.done $0x0  }
0x7f: {  	p0 =	sne.s32 s20, s12;
	[sflag:s18] =	ssyncadd.s32 $0xFFFFF800  }
.Ltmp1:
0x80: {  	s31 =	sor.u32 $0x1C03, s5;
	[bflag:$0x0] =	sbarrier.arrive $0xFFFF;
	(pc) =	sbr.rel @p0 .LBB2_1-.Ltmp1, $4  }
0x81: {  	[hbm:s11], [sflag:s31] =	dma.local [spmem:s13], $0x4F0  }
0x82: {  	_ =	swait.ge [sflag:s19], $0x4F0  }
0x83: {  	[sflag:s19] =	ssyncset.done $0x0  }
0x84: {  	[sflag:s19] =	ssyncadd.s32 $0xFFFFFB10  }
0x85: {  	_ =	sfence.sel $0x180000  }
0x86: {  	[bflag:$0x0] =	sbarrier.arrive $0xFFFF  }
0x87: {  	_ =	strace $0x9000004A  }
0x88: {  	s0 =	stileid.u32;
	[bflag:$0x2] =	sbarrier.arrive $0xFFFF  }
0x89: {  	p0 =	sne.s32 s0, $0x0;
	s0 =	rddreg [dreg:$0x4]  }
0x8a: {  	s0 =	sadd.s32 @!p0 $0x100000, s0  }
0x8b: {  	[sflag:s0] =	ssyncadd.tile.s32 @!p0 $0x1;
	_ =	shalt  }
.Lfunc_end2:
_tile_overlayer_lowered:
.L_overlay_start_2:
0x8c: {  	(tag) =	ssettag $0x2  }
0x8d: {  	s0 =	rddreg [dreg:$0x0];
	s2 =	stileid.u32  }
0x8e: {  	s1 =	rddreg [dreg:$0x1];
	p0 =	sne.s32 s2, $0x0  }
0x8f: {  	s3 =	rddreg [dreg:$0x2];
	[bflag:$0x3] =	sbarrier.arrive $0xFFFF;
	s2 =	simm.s32 @!p0 $0x1C03  }
0x90: {  	[timem:s3], [sflag:s2] =	dma.local @!p0 [hbm:s0], s1  }
0x91: {  	s0 =	simm.s32 @!p0 $0x3  }
0x92: {  	_ =	swait.ge @!p0 [sflag:s0], s1  }
0x93: {  	s1 =	ssub.s32 @!p0 $0x0, s1;
	[sflag:s0] =	ssyncset.done @!p0 $0x0  }
0x94: {  	[sflag:s0] =	ssyncadd.s32 @!p0 s1  }
0x95: {  	[bflag:$0x3] =	sbarrier.arrive $0xFFFF  }
0x96: {  	_ =	shalt  }

// kernel: kernel.14.cloned.1.call-start
scs
__scs_entry_jumppad:
0x0: {  	(pc) =	sbr.rel $0x88, $3  }
0x1: {  	(tag) =	ssettag $0x0;
	lr =	simm.s32 $0x1  }
0x2: {  	[smem:$0x3F9B] =	sst lr;
	_ =	strace $0xD0000000  }
0x3: {  	_ = 	snop  }
0x4: {  	_ = 	snop  }
0x5: {  	_ = 	snop  }
0x6: {  	_ = 	snop  }
0x7: {  	_ = 	snop  }
__scs_overlays_trampoline_lowered:
0x8: {  	[smem:$0x3FAA] =	sst s0  }
0x9: {  	[smem:$0x3FAB] =	sst s1  }
0xa: {  	[smem:$0x3FAC] =	sst s2  }
0xb: {  	[smem:$0x3FAD] =	sst s3  }
0xc: {  	[smem:$0x3FAE] =	sst s4  }
0xd: {  	[smem:$0x3FAF] =	sst s5  }
0xe: {  	[smem:$0x3FB0] =	sst s6  }
0xf: {  	[smem:$0x3FB1] =	sst s7  }
0x10: {  	[smem:$0x3FB2] =	sst s8  }
0x11: {  	[smem:$0x3FB3] =	sst s9;
	s0 =	simm.s32 @!p0 $0x0  }
0x12: {  	s1 =	sld [smem:$0x3F99];
	s0 =	simm.s32 @p0 $0x1  }
0x13: {  	[smem:$0x3FB4] =	sst s0;
	s0 =	simm.s32 @!p1 $0x0  }
0x14: {  	s2 =	sld [smem:$0x3F98];
	s0 =	simm.s32 @p1 $0x1  }
0x15: {  	[smem:$0x3FB5] =	sst s0;
	s0 =	simm.s32 @!p2 $0x0  }
0x16: {  	s3 =	sld [smem:$0x3FDB];
	s0 =	simm.s32 @p2 $0x1  }
0x17: {  	s4 =	simm.s32 $0x1BF5;
	[smem:$0x3FB7] =	sst s0  }
0x18: {  	s0 =	sld [smem:$0x3F9A];
	_ =	swait.ge [sflag:s4], $0x0  }
0x19: {  	s7 =	sld [smem:$0x3F9B]  }
0x1a: {  	s8 =	sadd.s32 $0xFFFFE003, lr  }
0x1b: {  	s9 =	sadd.s32 $0xFFFFFEF7, lr;
	s5 =	simm.s32 $0xFFFFFFFF;
	p2 =	slt.u32 s8, $0xFFFFF086  }
0x1c: {  	p1 =	slt.u32 s9, $0xF7A;
	s5 =	simm.s32 @!p2 $0x0  }
0x1d: {  	s5 =	simm.s32 @p1 $0x1;
	p0 =	seq.s32 s7, s2  }
0x1e: {  	s7 =	smul.u32 @!p0 $0xF7A, s2;
	p2 =	seq.s32 @!p0 s5, $0x0  }
0x1f: {  	s9 =	smul.u32 $0xF7A, s1;
	s8 =	simm.s32 @!p0 $0x1BF5;
	p2 =	por !p2, p0  }
0x20: {  	[sflag:s8] =	ssyncset.s32 @!p0 $0xFFFFF086;
	s6 =	sadd.s32 @!p0 s3, s7;
	s7 =	simm.s32 @!p0 $0x108  }
0x21: {  	s3 =	sadd.s32 s3, s9;
	s6 =	sadd.s32 @!p0 $0x88, s6;
	s7 =	simm.s32 @p2 $0x1082  }
0x22: {  	[simem:s7], [sflag:s8] =	dma.local @!p0 [hbm:s6], $0xF7A  }
0x23: {  	s9 =	sor.u32 $0xD0000000, s2;
	s6 =	simm.s32 $0x108;
	_ =	swait.ge @!p0 [sflag:s8], $0x0  }
0x24: {  	s3 =	sadd.s32 $0x88, s3;
	s6 =	simm.s32 @!p1 $0x1082;
	[sflag:s4] =	ssyncset.s32 $0xFFFFF086  }
0x25: {  	[simem:s6], [sflag:s4] =	dma.local [hbm:s3], $0xF7A  }
0x26: {  	[smem:$0x3F9B] =	sst s1;
	(tag) =	ssettag s2;
	_ =	strace s9  }
0x27: {  	s1 =	sld [smem:$0x3FAB]  }
0x28: {  	s2 =	sld [smem:$0x3FAC]  }
0x29: {  	s4 =	sld [smem:$0x3FAE]  }
0x2a: {  	p0 =	seq.s32 s5, $0x0;
	s5 =	sld [smem:$0x3FAF]  }
0x2b: {  	s6 =	sld [smem:$0x3FB0]  }
0x2c: {  	s7 =	sld [smem:$0x3FB1]  }
0x2d: {  	s3 =	simm.s32 $0x108;
	s8 =	sld [smem:$0x3FB2]  }
0x2e: {  	s3 =	simm.s32 @!p0 $0x1082;
	s9 =	sld [smem:$0x3FB3]  }
0x2f: {  	lr =	sadd.s32 s0, s3;
	s0 =	sld [smem:$0x3FAA]  }
0x30: {  	s3 =	sld [smem:$0x3FAD]  }
0x31: {  	[smem:$0x3FB6] =	sst s10  }
0x32: {  	s10 =	sld [smem:$0x3FB4];
	_ =	sdelay $0x3  }
0x33: {  	p0 =	seq.s32 s10, $0x1;
	s10 =	sld [smem:$0x3FB6];
	_ =	sdelay $0x3  }
0x34: {  	[smem:$0x3FB6] =	sst s10  }
0x35: {  	s10 =	sld [smem:$0x3FB5];
	_ =	sdelay $0x3  }
0x36: {  	p1 =	seq.s32 s10, $0x1;
	s10 =	sld [smem:$0x3FB6];
	_ =	sdelay $0x3  }
0x37: {  	[smem:$0x3FB6] =	sst s10  }
0x38: {  	s10 =	sld [smem:$0x3FB7]  }
0x39: {  	_ = 	snop;
	(pc) =	sbr.ind lr, $3  }
0x3a: {  	_ = 	snop  }
0x3b: {  	_ = 	snop  }
0x3c: {  	p2 =	seq.s32 s10, $0x1;
	s10 =	sld [smem:$0x3FB6]  }
0x3d: {  	_ =	shalt  }
0x3e: {  	_ =	shalt  }
0x3f: {  	_ =	shalt  }
0x40: {  	_ =	shalt  }
0x41: {  	_ =	shalt  }
0x42: {  	_ =	shalt  }
0x43: {  	_ =	shalt  }
0x44: {  	_ =	shalt  }
0x45: {  	_ =	shalt  }
0x46: {  	_ =	shalt  }
0x47: {  	_ =	shalt  }
0x48: {  	_ =	shalt  }
0x49: {  	_ =	shalt  }
0x4a: {  	_ =	shalt  }
0x4b: {  	_ =	shalt  }
0x4c: {  	_ =	shalt  }
0x4d: {  	_ =	shalt  }
0x4e: {  	_ =	shalt  }
0x4f: {  	_ =	shalt  }
0x50: {  	_ =	shalt  }
0x51: {  	_ =	shalt  }
0x52: {  	_ =	shalt  }
0x53: {  	_ =	shalt  }
0x54: {  	_ =	shalt  }
0x55: {  	_ =	shalt  }
0x56: {  	_ =	shalt  }
0x57: {  	_ =	shalt  }
0x58: {  	_ =	shalt  }
0x59: {  	_ =	shalt  }
0x5a: {  	_ =	shalt  }
0x5b: {  	_ =	shalt  }
0x5c: {  	_ =	shalt  }
0x5d: {  	_ =	shalt  }
0x5e: {  	_ =	shalt  }
0x5f: {  	_ =	shalt  }
0x60: {  	_ =	shalt  }
0x61: {  	_ =	shalt  }
0x62: {  	_ =	shalt  }
0x63: {  	_ =	shalt  }
0x64: {  	_ =	shalt  }
0x65: {  	_ =	shalt  }
0x66: {  	_ =	shalt  }
0x67: {  	_ =	shalt  }
0x68: {  	_ =	shalt  }
0x69: {  	_ =	shalt  }
0x6a: {  	_ =	shalt  }
0x6b: {  	_ =	shalt  }
0x6c: {  	_ =	shalt  }
0x6d: {  	_ =	shalt  }
0x6e: {  	_ =	shalt  }
0x6f: {  	_ =	shalt  }
0x70: {  	_ =	shalt  }
0x71: {  	_ =	shalt  }
0x72: {  	_ =	shalt  }
0x73: {  	_ =	shalt  }
0x74: {  	_ =	shalt  }
0x75: {  	_ =	shalt  }
0x76: {  	_ =	shalt  }
0x77: {  	_ =	shalt  }
0x78: {  	_ =	shalt  }
0x79: {  	_ =	shalt  }
0x7a: {  	_ =	shalt  }
0x7b: {  	_ =	shalt  }
0x7c: {  	_ =	shalt  }
0x7d: {  	_ =	shalt  }
0x7e: {  	_ =	shalt  }
0x7f: {  	_ =	shalt  }
0x80: {  	_ =	shalt  }
0x81: {  	_ =	shalt  }
0x82: {  	_ =	shalt  }
0x83: {  	_ =	shalt  }
0x84: {  	_ =	shalt  }
0x85: {  	_ =	shalt  }
0x86: {  	_ =	shalt  }
0x87: {  	_ =	shalt  }
.Lfunc_end0:
.L_simem_size_0:
called_computation.2_lowered:
.L_overlay_start_0:
0x88: {  	s2 =	sld [smem:$0x3FD9]  }
0x89: {  	s3 =	sld [smem:$0x3FFE];
	_ =	sdelay $0x1  }
0x8a: {  	s1 =	srdreg.scid  }
0x8b: {  	s0 =	sand.u32 $0x1, s1  }
0x8c: {  	s17 =	sshll.u32 s0, $0xA;
	s2 =	sadd.s32 s3, s2  }
0x8d: {  	s2 =	sadd.s32 s2, s17  }
0x8e: {  	[smem:$0x3FC2] =	sst s2  }
0x8f: {  	_ = 	snop  }
0x90: {  	s2 =	sld [smem:$0x3FD0];
	(tm) =	ssettm $0x1  }
0x91: {  	s18 =	sld [smem:$0x3FFB];
	_ =	sdelay $0x3  }
0x92: {  	_ =	strace s18  }
0x93: {  	s3 =	sld [smem:$0x3FFC];
	_ =	sdelay $0x3  }
0x94: {  	_ =	strace s3  }
0x95: {  	s3 =	sld [smem:$0x3FFD];
	_ =	sdelay $0x3  }
0x96: {  	_ =	strace s3  }
0x97: {  	_ =	strace $0x8FFFFFFF  }
0x98: {  	s19 =	sld [smem:$0x3FDB];
	_ =	sdelay $0x1  }
0x99: {  	s4 =	simm.s32 $_scs_section_size  }
0x9a: {  	s5 =	simm.s32 $_size__tile_overlayer_lowered;
	s6 =	simm.s32 $_tile_overlayer_lowered  }
0x9b: {  	s22 =	simm.s32 $0x1BFF;
	s21 =	sshll.u32 s6, $0x1;
	s3 =	sadd.s32 s4, s19  }
0x9c: {  	s7 =	simm.s32 $0x0;
	s20 =	sshll.u32 s5, $0x1;
	s5 =	sadd.s32 s21, s3  }
0x9d: {  	[timem:s7], [sflag:s22] =	dma.local [hbm:s5], s20  }
0x9e: {  	_ =	swait.ge [sflag:s22], s20  }
0x9f: {  	s4 =	ssub.s32 $0x0, s20;
	[sflag:s22] =	ssyncset.done $0x0  }
0xa0: {  	[sflag:s22] =	ssyncadd.s32 s4;
	_ =	sdelay $0x1  }
0xa1: {  	s23 =	simm.s32 $0x1B8B  }
0xa2: {  	_ =	swait.ge [sflag:s23], $0x1  }
0xa3: {  	[sflag:s23] =	ssyncset.done $0x0  }
0xa4: {  	s25 =	simm.s32 $0x1B8E;
	s24 =	sld [smem:$0x3FFE];
	[sflag:s23] =	ssyncadd.s32 $0xFFFFFFFF  }
0xa5: {  	s26 =	simm.s32 $execute0_lowered;
	[smem:$0x3FD2] =	sst s25  }
0xa6: {  	s5 =	sshll.u32 s26, $0x1;
	_ =	strace $0x8000004C;
	[dreg:$0x1] =	wrdreg $0xFFFFFFFF  }
0xa7: {  	s28 =	simm.s32 $_size_execute0_lowered;
	s3 =	sadd.s32 s3, s5;
	[dreg:$0x0] =	wrdreg $0x0  }
0xa8: {  	s5 =	sshll.u32 s28, $0x1;
	[dreg:$0x2] =	wrdreg s3  }
0xa9: {  	[dreg:$0x3] =	wrdreg s5  }
0xaa: {  	[dreg:$0x4] =	wrdreg $0xC0  }
0xab: {  	_ =	task [dreg:s7], $0x5FFFF  }
0xac: {  	[dreg:$0x1] =	wrdreg $0xFFFFFFFF  }
0xad: {  	[dreg:$0x0] =	wrdreg $0x60  }
0xae: {  	[dreg:$0x2] =	wrdreg s24  }
0xaf: {  	[dreg:$0x3] =	wrdreg s2  }
0xb0: {  	[dreg:$0x4] =	wrdreg $0x9F000  }
0xb1: {  	[dreg:$0x5] =	wrdreg $0xC6800  }
0xb2: {  	[dreg:$0x6] =	wrdreg $0x9  }
0xb3: {  	_ =	task.clear_ibuf [dreg:s7], $0x7FFFF;
	_ =	strace $0x9000004C  }
0xb4: {  	s29 =	simm.s32 $0x9;
	_ =	strace $0x8000004E  }
0xb5: {  	_ =	swait.ge [sflag:s29], $0x1  }
0xb6: {  	[sflag:s29] =	ssyncadd.s32 $0xFFFFFFFF  }
0xb7: {  	_ =	strace $0x9000004E  }
0xb8: {  	_ =	sfence  }
0xb9: {  	s30 =	sld [smem:$0x0];
	_ =	sdelay $0x2  }
0xba: {  	s31 =	sshll.u32 s1, $0xD;
	s1 =	sshrl.u32 s1, $0x2  }
0xbb: {  	s3 =	sand.u32 $0x4000, s31;
	s1 =	sadd.s32 s1, s30  }
0xbc: {  	s0 =	sor.u32 s3, s0;
	s1 =	sshll.u32 s1, $0x11  }
0xbd: {  	s0 =	sor.u32 s1, s0  }
0xbe: {  	s0 =	sadd.s32 $0x8F2B, s0  }
0xbf: {  	[sflag:s0] =	ssyncadd.remote.s32 $0x1  }
0xc0: {  	_ =	sfence.sel $0xFFFF  }
0xc1: {  	[dreg:$0x0] =	wrdreg $0xFFFFFFFF;
	(pc) =	sbr.abs _section_cstart, $3  }
0xc2: {  	[dreg:$0x1] =	wrdreg $0xFFFFFFFF  }
0xc3: {  	_ =	task.clear_ibuf [dreg:s7], $0x2FFFF;
	_ =	strace $0x9FFFFFFF  }
0xc4: {  	(tm) =	ssettm $0x7FFFFFFF  }
0xc5: {  	_ =	shalt  }
tec
execute0_lowered:
.L_overlay_start_1:
0x0: {  	(tag) =	ssettag $0x1  }
0x1: {  	s0 =	rddreg [dreg:$0x0]  }
0x2: {  	s1 =	rddreg [dreg:$0x1]  }
0x3: {  	s2 =	rddreg [dreg:$0x2]  }
0x4: {  	s3 =	rddreg [dreg:$0x3]  }
0x5: {  	s4 =	simm.s32 $0x0;
	s13 =	stileid.u32;
	s5 =	srdreg.scid  }
0x6: {  	s15 =	simm.s32 $0x1;
	s16 =	simm.s32 $0x80;
	s17 =	simm.s32 $0x9700  }
0x7: {  	s18 =	simm.s32 $0x2;
	s19 =	simm.s32 $0x3;
	s20 =	simm.s32 $0x0  }
0x8: {  	s8 =	smul.u32 $0x2780, s13;
	s5 =	sand.u32 $0x1, s5;
	s6 =	sshll.u32 s13, $0x1  }
0x9: {  	[smem:$0x7FF] =	sst s4;
	s6 =	sor.u32 s5, s6;
	s7 =	smul.u32 $0x27800, s5  }
0xa: {  	_ =	strace $0x8000004D;
	s5 =	ssub.s32 $0x2, s5;
	s9 =	sshrl.u32 s8, $0x3  }
0xb: {  	s10 =	smul.u32 $0x4F0, s6;
	s30 =	sshrl.u32 s5, $0x1;
	s31 =	sadd.s32 s8, s2  }
0xc: {  	s14 =	sadd.s32 s8, s3;
	s9 =	sadd.s32 s9, s0;
	s29 =	sadd.s32 s8, s7  }
0xd: {  	s12 =	ssub.s32 s5, s30;
	s5 =	sshll.u32 s13, $0x6;
	s13 =	sshrl.u32 s31, $0x3  }
0xe: {  	s14 =	sshrl.u32 s14, $0x3;
	s11 =	sadd.s32 s10, s0;
	s6 =	sshrl.u32 s29, $0x3  }
0xf: {  	s7 =	sor.u32 $0x1C01, s5;
	s8 =	sadd.s32 $0x6800, s9;
	s10 =	sadd.s32 s1, s10  }
0x10: {  	s12 =	smax.u32 s12, $0x1;
	s1 =	simm.s32 $0x480;
	s0 =	sadd.s32 s6, s0  }
0x11: {  	s6 =	sadd.s32 $0x1800, s9;
	s9 =	sadd.s32 $0x10600, s11;
	s11 =	sadd.s32 $0x1A400, s0  }
.LBB2_1:
0x12: {  	[spmem:s13], [sflag:s7] =	dma.local [hbm:s6], $0x4F0  }
0x13: {  	[spmem:s14], [sflag:s7] =	dma.local [hbm:s8], $0x4F0  }
0x14: {  	[tilespmem:s4], [sflag:$0x1] =	stream.linear.gather [hbm4b:s9+s4], $0x2780, $0x38;
	[tilespmem:$0xEE00] =	vst v63  }
0x15: {  	s21 =	simm.s32 $0x2780  }
0x16: {  	[tilespmem:s21], [sflag:$0x1] =	stream.linear.gather [hbm4b:s10+s4], $0x2780, $0x38;
	[tilespmem:$0xEE00] =	vst v63  }
0x17: {  	_ =	swait.ge [sflag:s15], $0x4F0  }
0x18: {  	[sflag:s15] =	ssyncset.done $0x0  }
0x19: {  	[sflag:s15] =	ssyncadd.s32 $0xFFFFFB10  }
0x1a: {  	_ =	swait.ge [sflag:s15], $0x4F0  }
0x1b: {  	[sflag:s15] =	ssyncset.done $0x0  }
0x1c: {  	[sflag:s15] =	ssyncadd.s32 $0xFFFFFB10  }
0x1d: {  	_ =	swait.ge [sflag:s15], $0x2780  }
0x1e: {  	[sflag:s15] =	ssyncset.done $0x0  }
0x1f: {  	[sflag:s15] =	ssyncadd.s32 $0xFFFFD880  }
0x20: {  	_ =	swait.ge [sflag:s15], $0x2780  }
0x21: {  	[sflag:s15] =	ssyncset.done $0x0  }
0x22: {  	[sflag:s15] =	ssyncadd.s32 $0xFFFFD880  }
0x23: {  	s0 =	simm.s32 $0x4F00;
	[bflag:$0x0] =	sbarrier.arrive $0xFFFF  }
0x24: {  	[tilespmem:s0], [sflag:$0x1] =	stream.indirect.gather [spmem:s3], $0x10, s4, s16, $0xb8;
	[tilespmem:$0xEE00] =	vst v63  }
0x25: {  	s23 =	simm.s32 $0x5700  }
0x26: {  	[tilespmem:s23], [sflag:$0x1] =	stream.indirect.gather [spmem:s3], $0x10, s16, s16, $0xb8;
	[tilespmem:$0xEE00] =	vst v63  }
0x27: {  	s24 =	simm.s32 $0x100;
	s22 =	simm.s32 $0x5F00  }
0x28: {  	[tilespmem:s22], [sflag:$0x1] =	stream.indirect.gather [spmem:s3], $0x10, s24, s16, $0xb8;
	[tilespmem:$0xEE00] =	vst v63  }
0x29: {  	s25 =	simm.s32 $0x180;
	s26 =	simm.s32 $0x6700  }
0x2a: {  	[tilespmem:s26], [sflag:$0x1] =	stream.indirect.gather [spmem:s3], $0x10, s25, s16, $0xb8;
	[tilespmem:$0xEE00] =	vst v63  }
0x2b: {  	s30 =	simm.s32 $0x200;
	s31 =	simm.s32 $0x6F00  }
0x2c: {  	[tilespmem:s31], [sflag:$0x1] =	stream.indirect.gather [spmem:s3], $0x10, s30, s16, $0xb8;
	[tilespmem:$0xEE00] =	vst v63  }
0x2d: {  	s23 =	simm.s32 $0x280;
	s24 =	simm.s32 $0x7700  }
0x2e: {  	[tilespmem:s24], [sflag:$0x1] =	stream.indirect.gather [spmem:s3], $0x10, s23, s16, $0xb8;
	[tilespmem:$0xEE00] =	vst v63  }
0x2f: {  	s25 =	simm.s32 $0x300;
	s26 =	simm.s32 $0x7F00  }
0x30: {  	[tilespmem:s26], [sflag:$0x1] =	stream.indirect.gather [spmem:s3], $0x10, s25, s16, $0xb8;
	[tilespmem:$0xEE00] =	vst v63  }
0x31: {  	s22 =	simm.s32 $0x380;
	s30 =	simm.s32 $0x8700  }
0x32: {  	[tilespmem:s30], [sflag:$0x1] =	stream.indirect.gather [spmem:s3], $0x10, s22, s16, $0xb8;
	[tilespmem:$0xEE00] =	vst v63  }
0x33: {  	p0 =	por $0x1, $0x1;
	s31 =	simm.s32 $0x400;
	s23 =	simm.s32 $0x8F00  }
0x34: {  	[tilespmem:s23], [sflag:$0x1] =	stream.indirect.gather [spmem:s3], $0x10, s31, s16, $0xb8;
	[tilespmem:$0xEE00] =	vst v63  }
0x35: {  	s23 =	simm.s32 @!p0 $0x7  }
0x36: {  	s23 =	smul.u32 @!p0 $0xCD, s23  }
0x37: {  	s26 =	simm.s32 $0x0  }
0x38: {  	s26 =	smul.u32 $0xCD, s26;
	s23 =	sshrl.u32 @!p0 s23, $0xB  }
0x39: {  	s28 =	simm.s32 @!p0 $0x2;
	s23 =	sand.u32 @!p0 $0x1F, s23  }
0x3a: {  	s29 =	simm.s32 @!p0 $0x80;
	s26 =	sshrl.u32 s26, $0xB;
	s23 =	smul.u32 @!p0 $0xA, s23  }
0x3b: {  	[tilespmem:s17], [sflag:$0x1] =	stream.indirect.gather [spmem:s3], $0x10, s1, s16, $0xb8;
	[tilespmem:$0xEE00] =	vst v63  }
0x3c: {  	s24 =	simm.s32 $0xFFFFFFFE;
	s26 =	sand.u32 $0x1F, s26;
	s23 =	ssub.s32 @!p0 $0x7, s23  }
0x3d: {  	s26 =	smul.u32 $0xA, s26;
	_ =	swait.ge @!p0 [sflag:s28], $0x800;
	s23 =	sand.u32 @!p0 $0xFF, s23  }
0x3e: {  	s25 =	simm.s32 $0xFFFFFFFF;
	[sflag:s28] =	ssyncset.done @!p0 $0x0;
	s30 =	sshll.u32 @!p0 s23, $0xB  }
0x3f: {  	s26 =	ssub.s32 $0x0, s26;
	[sflag:s28] =	ssyncadd.s32 @!p0 $0xFFFFF800;
	s28 =	sadd.s32 @!p0 $0x4F00, s30  }
0x40: {  	[tilespmem:s28], [sflag:$0x1] =	stream.indirect.gather @!p0 [spmem:s3], $0x10, s22, s29, $0xb8;
	[tilespmem:$0xEE00] =	vst v63  }
0x41: {  	s23 =	simm.s32 $0x400;
	s22 =	simm.s32 $0x2800;
	p0 =	por $0x1, $0x1  }
0x42: {  	s29 =	sand.u32 $0xFF, s26;
	_ =	swait.ge [sflag:s15], $0x800;
	s28 =	simm.s32 @!p0 $0x8  }
0x43: {  	s26 =	simm.s32 @!p0 $0x2;
	s29 =	sshll.u32 s29, $0xB;
	[sflag:s15] =	ssyncset.done $0x0  }
.LBB2_2:
0x44: {  	s30 =	smul.u32 @!p0 $0xCD, s28;
	s29 =	sadd.s32 $0x4F00, s29;
	[sflag:s15] =	ssyncadd.s32 $0xFFFFF800  }
0x45: {  	[spmem:s2] =	stream.indirect.scatter.add.f32 [tilespmem:s29], [sflag:$0x2], $0x10, s21, s16, $0xb8;
	[tilespmem:$0xEE00] =	vst v63  }
0x46: {  	s29 =	smov.u32 s25  }
0x47: {  	s25 =	sadd.s32 $0x1, s25;
	s21 =	sshrl.u32 @!p0 s30, $0xB;
	s30 =	sadd.s32 $0x3, s24  }
0x48: {  	p1 =	sne.s32 s25, $0x4C;
	s21 =	sand.u32 @!p0 $0x1F, s21;
	s0 =	smul.u32 $0xCD, s30  }
0x49: {  	s24 =	smov.u32 s29;
	s29 =	smov.u32 s23;
	s31 =	smul.u32 @!p0 $0xA, s21  }
0x4a: {  	s23 =	sadd.s32 $0x80, s23;
	s21 =	smov.u32 s22  }
0x4b: {  	s0 =	sshrl.u32 s0, $0xB;
	s28 =	ssub.s32 @!p0 s28, s31;
	s31 =	simm.s32 @!p0 $0x80  }
0x4c: {  	s0 =	sand.u32 $0x1F, s0;
	_ =	swait.ge @!p0 [sflag:s26], $0x800;
	s28 =	sand.u32 @!p0 $0xFF, s28  }
0x4d: {  	s0 =	smul.u32 $0xA, s0;
	[sflag:s26] =	ssyncset.done @!p0 $0x0;
	s28 =	sshll.u32 @!p0 s28, $0xB  }
.Ltmp0:
0x4e: {  	[sflag:s26] =	ssyncadd.s32 @!p0 $0xFFFFF800;
	s26 =	sadd.s32 @!p0 $0x4F00, s28;
	(pc) =	sbr.rel @p1 .LBB2_2-.Ltmp0, $4  }
0x4f: {  	[tilespmem:s26], [sflag:$0x1] =	stream.indirect.gather @!p0 [spmem:s3], $0x10, s29, s31, $0xb8;
	[tilespmem:$0xEE00] =	vst v63  }
0x50: {  	s22 =	sadd.s32 $0x80, s22;
	s0 =	ssub.s32 s30, s0;
	_ =	swait.ge [sflag:s15], $0x800  }
0x51: {  	p0 =	sgt.u32 s24, $0x44;
	s0 =	sand.u32 $0xFF, s0;
	[sflag:s15] =	ssyncset.done $0x0  }
0x52: {  	s28 =	sadd.s32 @!p0 $0xA, s24;
	s26 =	simm.s32 @!p0 $0x2;
	s29 =	sshll.u32 s0, $0xB  }
0x53: {  	s0 =	smul.u32 @!p0 $0xCD, s28;
	s25 =	sadd.s32 $0x4F00, s29;
	[sflag:s15] =	ssyncadd.s32 $0xFFFFF800  }
0x54: {  	[spmem:s2] =	stream.indirect.scatter.add.f32 [tilespmem:s25], [sflag:$0x2], $0x10, s21, s16, $0xb8;
	[tilespmem:$0xEE00] =	vst v63  }
0x55: {  	s29 =	sadd.s32 $0x3, s24;
	s0 =	sshrl.u32 @!p0 s0, $0xB  }
0x56: {  	s24 =	smul.u32 $0xCD, s29;
	s0 =	sand.u32 @!p0 $0x1F, s0  }
0x57: {  	s0 =	smul.u32 @!p0 $0xA, s0  }
0x58: {  	s24 =	sshrl.u32 s24, $0xB  }
0x59: {  	s24 =	sand.u32 $0x1F, s24;
	s0 =	ssub.s32 @!p0 s28, s0  }
0x5a: {  	_ =	swait.ge @!p0 [sflag:s26], $0x800;
	s24 =	smul.u32 $0xA, s24;
	s0 =	sand.u32 @!p0 $0xFF, s0  }
0x5b: {  	s25 =	simm.s32 @!p0 $0x80;
	[sflag:s26] =	ssyncset.done @!p0 $0x0;
	s0 =	sshll.u32 @!p0 s0, $0xB  }
0x5c: {  	[sflag:s26] =	ssyncadd.s32 @!p0 $0xFFFFF800;
	s30 =	ssub.s32 s29, s24;
	s0 =	sadd.s32 @!p0 $0x4F00, s0  }
0x5d: {  	[tilespmem:s0], [sflag:$0x1] =	stream.indirect.gather @!p0 [spmem:s3], $0x10, s23, s25, $0xb8;
	[tilespmem:$0xEE00] =	vst v63  }
0x5e: {  	s0 =	sand.u32 $0xFF, s30;
	_ =	swait.ge [sflag:s15], $0x800  }
0x5f: {  	s0 =	sshll.u32 s0, $0xB;
	[sflag:s15] =	ssyncset.done $0x0  }
0x60: {  	s0 =	sadd.s32 $0x4F00, s0;
	[sflag:s15] =	ssyncadd.s32 $0xFFFFF800  }
0x61: {  	[spmem:s2] =	stream.indirect.scatter.add.f32 [tilespmem:s0], [sflag:$0x2], $0x10, s22, s16, $0xb8;
	[tilespmem:$0xEE00] =	vst v63  }
0x62: {  	_ =	swait.ge [sflag:s18], $0x800  }
0x63: {  	[sflag:s18] =	ssyncset.done $0x0  }
0x64: {  	[sflag:s18] =	ssyncadd.s32 $0xFFFFF800  }
0x65: {  	_ =	swait.ge [sflag:s18], $0x800  }
0x66: {  	[sflag:s18] =	ssyncset.done $0x0  }
0x67: {  	[sflag:s18] =	ssyncadd.s32 $0xFFFFF800  }
0x68: {  	_ =	swait.ge [sflag:s18], $0x800  }
0x69: {  	[sflag:s18] =	ssyncset.done $0x0  }
0x6a: {  	[sflag:s18] =	ssyncadd.s32 $0xFFFFF800  }
0x6b: {  	_ =	swait.ge [sflag:s18], $0x800  }
0x6c: {  	[sflag:s18] =	ssyncset.done $0x0  }
0x6d: {  	[sflag:s18] =	ssyncadd.s32 $0xFFFFF800  }
0x6e: {  	_ =	swait.ge [sflag:s18], $0x800  }
0x6f: {  	[sflag:s18] =	ssyncset.done $0x0  }
0x70: {  	[sflag:s18] =	ssyncadd.s32 $0xFFFFF800  }
0x71: {  	_ =	swait.ge [sflag:s18], $0x800  }
0x72: {  	[sflag:s18] =	ssyncset.done $0x0  }
0x73: {  	[sflag:s18] =	ssyncadd.s32 $0xFFFFF800  }
0x74: {  	_ =	swait.ge [sflag:s18], $0x800  }
0x75: {  	[sflag:s18] =	ssyncset.done $0x0  }
0x76: {  	[sflag:s18] =	ssyncadd.s32 $0xFFFFF800  }
0x77: {  	_ =	swait.ge [sflag:s18], $0x800  }
0x78: {  	[sflag:s18] =	ssyncset.done $0x0  }
0x79: {  	[sflag:s18] =	ssyncadd.s32 $0xFFFFF800  }
0x7a: {  	_ =	swait.ge [sflag:s18], $0x800  }
0x7b: {  	[sflag:s18] =	ssyncset.done $0x0  }
0x7c: {  	[sflag:s18] =	ssyncadd.s32 $0xFFFFF800  }
0x7d: {  	_ =	swait.ge [sflag:s18], $0x800  }
0x7e: {  	s20 =	sadd.s32 $0x1, s20;
	[sflag:s18] =	ssyncset.done $0x0  }
0x7f: {  	p0 =	sne.s32 s20, s12;
	[sflag:s18] =	ssyncadd.s32 $0xFFFFF800  }
.Ltmp1:
0x80: {  	s31 =	sor.u32 $0x1C03, s5;
	[bflag:$0x0] =	sbarrier.arrive $0xFFFF;
	(pc) =	sbr.rel @p0 .LBB2_1-.Ltmp1, $4  }
0x81: {  	[hbm:s11], [sflag:s31] =	dma.local [spmem:s13], $0x4F0  }
0x82: {  	_ =	swait.ge [sflag:s19], $0x4F0  }
0x83: {  	[sflag:s19] =	ssyncset.done $0x0  }
0x84: {  	[sflag:s19] =	ssyncadd.s32 $0xFFFFFB10  }
0x85: {  	_ =	sfence.sel $0x180000  }
0x86: {  	[bflag:$0x0] =	sbarrier.arrive $0xFFFF  }
0x87: {  	_ =	strace $0x9000004D  }
0x88: {  	s0 =	stileid.u32;
	[bflag:$0x2] =	sbarrier.arrive $0xFFFF  }
0x89: {  	p0 =	sne.s32 s0, $0x0;
	s0 =	rddreg [dreg:$0x4]  }
0x8a: {  	s0 =	sadd.s32 @!p0 $0x100000, s0  }
0x8b: {  	[sflag:s0] =	ssyncadd.tile.s32 @!p0 $0x1;
	_ =	shalt  }
.Lfunc_end2:
_tile_overlayer_lowered:
.L_overlay_start_2:
0x8c: {  	(tag) =	ssettag $0x2  }
0x8d: {  	s0 =	rddreg [dreg:$0x0];
	s2 =	stileid.u32  }
0x8e: {  	s1 =	rddreg [dreg:$0x1];
	p0 =	sne.s32 s2, $0x0  }
0x8f: {  	s3 =	rddreg [dreg:$0x2];
	[bflag:$0x3] =	sbarrier.arrive $0xFFFF;
	s2 =	simm.s32 @!p0 $0x1C03  }
0x90: {  	[timem:s3], [sflag:s2] =	dma.local @!p0 [hbm:s0], s1  }
0x91: {  	s0 =	simm.s32 @!p0 $0x3  }
0x92: {  	_ =	swait.ge @!p0 [sflag:s0], s1  }
0x93: {  	s1 =	ssub.s32 @!p0 $0x0, s1;
	[sflag:s0] =	ssyncset.done @!p0 $0x0  }
0x94: {  	[sflag:s0] =	ssyncadd.s32 @!p0 s1  }
0x95: {  	[bflag:$0x3] =	sbarrier.arrive $0xFFFF  }
0x96: {  	_ =	shalt  }

// kernel: kernel.8.cloned.1.call-start
scs
__scs_entry_jumppad:
0x0: {  	(pc) =	sbr.rel $0x88, $3  }
0x1: {  	(tag) =	ssettag $0x0;
	lr =	simm.s32 $0x1  }
0x2: {  	[smem:$0x3F9B] =	sst lr;
	_ =	strace $0xD0000000  }
0x3: {  	_ = 	snop  }
0x4: {  	_ = 	snop  }
0x5: {  	_ = 	snop  }
0x6: {  	_ = 	snop  }
0x7: {  	_ = 	snop  }
__scs_overlays_trampoline_lowered:
0x8: {  	[smem:$0x3FAA] =	sst s0  }
0x9: {  	[smem:$0x3FAB] =	sst s1  }
0xa: {  	[smem:$0x3FAC] =	sst s2  }
0xb: {  	[smem:$0x3FAD] =	sst s3  }
0xc: {  	[smem:$0x3FAE] =	sst s4  }
0xd: {  	[smem:$0x3FAF] =	sst s5  }
0xe: {  	[smem:$0x3FB0] =	sst s6  }
0xf: {  	[smem:$0x3FB1] =	sst s7  }
0x10: {  	[smem:$0x3FB2] =	sst s8  }
0x11: {  	[smem:$0x3FB3] =	sst s9;
	s0 =	simm.s32 @!p0 $0x0  }
0x12: {  	s1 =	sld [smem:$0x3F99];
	s0 =	simm.s32 @p0 $0x1  }
0x13: {  	[smem:$0x3FB4] =	sst s0;
	s0 =	simm.s32 @!p1 $0x0  }
0x14: {  	s2 =	sld [smem:$0x3F98];
	s0 =	simm.s32 @p1 $0x1  }
0x15: {  	[smem:$0x3FB5] =	sst s0;
	s0 =	simm.s32 @!p2 $0x0  }
0x16: {  	s3 =	sld [smem:$0x3FDB];
	s0 =	simm.s32 @p2 $0x1  }
0x17: {  	s4 =	simm.s32 $0x1BF5;
	[smem:$0x3FB7] =	sst s0  }
0x18: {  	s0 =	sld [smem:$0x3F9A];
	_ =	swait.ge [sflag:s4], $0x0  }
0x19: {  	s7 =	sld [smem:$0x3F9B]  }
0x1a: {  	s8 =	sadd.s32 $0xFFFFE003, lr  }
0x1b: {  	s9 =	sadd.s32 $0xFFFFFEF7, lr;
	s5 =	simm.s32 $0xFFFFFFFF;
	p2 =	slt.u32 s8, $0xFFFFF086  }
0x1c: {  	p1 =	slt.u32 s9, $0xF7A;
	s5 =	simm.s32 @!p2 $0x0  }
0x1d: {  	s5 =	simm.s32 @p1 $0x1;
	p0 =	seq.s32 s7, s2  }
0x1e: {  	s7 =	smul.u32 @!p0 $0xF7A, s2;
	p2 =	seq.s32 @!p0 s5, $0x0  }
0x1f: {  	s9 =	smul.u32 $0xF7A, s1;
	s8 =	simm.s32 @!p0 $0x1BF5;
	p2 =	por !p2, p0  }
0x20: {  	[sflag:s8] =	ssyncset.s32 @!p0 $0xFFFFF086;
	s6 =	sadd.s32 @!p0 s3, s7;
	s7 =	simm.s32 @!p0 $0x108  }
0x21: {  	s3 =	sadd.s32 s3, s9;
	s6 =	sadd.s32 @!p0 $0x88, s6;
	s7 =	simm.s32 @p2 $0x1082  }
0x22: {  	[simem:s7], [sflag:s8] =	dma.local @!p0 [hbm:s6], $0xF7A  }
0x23: {  	s9 =	sor.u32 $0xD0000000, s2;
	s6 =	simm.s32 $0x108;
	_ =	swait.ge @!p0 [sflag:s8], $0x0  }
0x24: {  	s3 =	sadd.s32 $0x88, s3;
	s6 =	simm.s32 @!p1 $0x1082;
	[sflag:s4] =	ssyncset.s32 $0xFFFFF086  }
0x25: {  	[simem:s6], [sflag:s4] =	dma.local [hbm:s3], $0xF7A  }
0x26: {  	[smem:$0x3F9B] =	sst s1;
	(tag) =	ssettag s2;
	_ =	strace s9  }
0x27: {  	s1 =	sld [smem:$0x3FAB]  }
0x28: {  	s2 =	sld [smem:$0x3FAC]  }
0x29: {  	s4 =	sld [smem:$0x3FAE]  }
0x2a: {  	p0 =	seq.s32 s5, $0x0;
	s5 =	sld [smem:$0x3FAF]  }
0x2b: {  	s6 =	sld [smem:$0x3FB0]  }
0x2c: {  	s7 =	sld [smem:$0x3FB1]  }
0x2d: {  	s3 =	simm.s32 $0x108;
	s8 =	sld [smem:$0x3FB2]  }
0x2e: {  	s3 =	simm.s32 @!p0 $0x1082;
	s9 =	sld [smem:$0x3FB3]  }
0x2f: {  	lr =	sadd.s32 s0, s3;
	s0 =	sld [smem:$0x3FAA]  }
0x30: {  	s3 =	sld [smem:$0x3FAD]  }
0x31: {  	[smem:$0x3FB6] =	sst s10  }
0x32: {  	s10 =	sld [smem:$0x3FB4];
	_ =	sdelay $0x3  }
0x33: {  	p0 =	seq.s32 s10, $0x1;
	s10 =	sld [smem:$0x3FB6];
	_ =	sdelay $0x3  }
0x34: {  	[smem:$0x3FB6] =	sst s10  }
0x35: {  	s10 =	sld [smem:$0x3FB5];
	_ =	sdelay $0x3  }
0x36: {  	p1 =	seq.s32 s10, $0x1;
	s10 =	sld [smem:$0x3FB6];
	_ =	sdelay $0x3  }
0x37: {  	[smem:$0x3FB6] =	sst s10  }
0x38: {  	s10 =	sld [smem:$0x3FB7]  }
0x39: {  	_ = 	snop;
	(pc) =	sbr.ind lr, $3  }
0x3a: {  	_ = 	snop  }
0x3b: {  	_ = 	snop  }
0x3c: {  	p2 =	seq.s32 s10, $0x1;
	s10 =	sld [smem:$0x3FB6]  }
0x3d: {  	_ =	shalt  }
0x3e: {  	_ =	shalt  }
0x3f: {  	_ =	shalt  }
0x40: {  	_ =	shalt  }
0x41: {  	_ =	shalt  }
0x42: {  	_ =	shalt  }
0x43: {  	_ =	shalt  }
0x44: {  	_ =	shalt  }
0x45: {  	_ =	shalt  }
0x46: {  	_ =	shalt  }
0x47: {  	_ =	shalt  }
0x48: {  	_ =	shalt  }
0x49: {  	_ =	shalt  }
0x4a: {  	_ =	shalt  }
0x4b: {  	_ =	shalt  }
0x4c: {  	_ =	shalt  }
0x4d: {  	_ =	shalt  }
0x4e: {  	_ =	shalt  }
0x4f: {  	_ =	shalt  }
0x50: {  	_ =	shalt  }
0x51: {  	_ =	shalt  }
0x52: {  	_ =	shalt  }
0x53: {  	_ =	shalt  }
0x54: {  	_ =	shalt  }
0x55: {  	_ =	shalt  }
0x56: {  	_ =	shalt  }
0x57: {  	_ =	shalt  }
0x58: {  	_ =	shalt  }
0x59: {  	_ =	shalt  }
0x5a: {  	_ =	shalt  }
0x5b: {  	_ =	shalt  }
0x5c: {  	_ =	shalt  }
0x5d: {  	_ =	shalt  }
0x5e: {  	_ =	shalt  }
0x5f: {  	_ =	shalt  }
0x60: {  	_ =	shalt  }
0x61: {  	_ =	shalt  }
0x62: {  	_ =	shalt  }
0x63: {  	_ =	shalt  }
0x64: {  	_ =	shalt  }
0x65: {  	_ =	shalt  }
0x66: {  	_ =	shalt  }
0x67: {  	_ =	shalt  }
0x68: {  	_ =	shalt  }
0x69: {  	_ =	shalt  }
0x6a: {  	_ =	shalt  }
0x6b: {  	_ =	shalt  }
0x6c: {  	_ =	shalt  }
0x6d: {  	_ =	shalt  }
0x6e: {  	_ =	shalt  }
0x6f: {  	_ =	shalt  }
0x70: {  	_ =	shalt  }
0x71: {  	_ =	shalt  }
0x72: {  	_ =	shalt  }
0x73: {  	_ =	shalt  }
0x74: {  	_ =	shalt  }
0x75: {  	_ =	shalt  }
0x76: {  	_ =	shalt  }
0x77: {  	_ =	shalt  }
0x78: {  	_ =	shalt  }
0x79: {  	_ =	shalt  }
0x7a: {  	_ =	shalt  }
0x7b: {  	_ =	shalt  }
0x7c: {  	_ =	shalt  }
0x7d: {  	_ =	shalt  }
0x7e: {  	_ =	shalt  }
0x7f: {  	_ =	shalt  }
0x80: {  	_ =	shalt  }
0x81: {  	_ =	shalt  }
0x82: {  	_ =	shalt  }
0x83: {  	_ =	shalt  }
0x84: {  	_ =	shalt  }
0x85: {  	_ =	shalt  }
0x86: {  	_ =	shalt  }
0x87: {  	_ =	shalt  }
.Lfunc_end0:
.L_simem_size_0:
called_computation_lowered:
.L_overlay_start_0:
0x88: {  	s2 =	sld [smem:$0x3FD9]  }
0x89: {  	s3 =	sld [smem:$0x3FFE];
	_ =	sdelay $0x1  }
0x8a: {  	s1 =	srdreg.scid  }
0x8b: {  	s0 =	sand.u32 $0x1, s1  }
0x8c: {  	s17 =	sshll.u32 s0, $0xA;
	s2 =	sadd.s32 s3, s2  }
0x8d: {  	s2 =	sadd.s32 s2, s17  }
0x8e: {  	[smem:$0x3FC2] =	sst s2  }
0x8f: {  	_ = 	snop  }
0x90: {  	s2 =	sld [smem:$0x3FD0];
	(tm) =	ssettm $0x1  }
0x91: {  	s18 =	sld [smem:$0x3FFB];
	_ =	sdelay $0x3  }
0x92: {  	_ =	strace s18  }
0x93: {  	s3 =	sld [smem:$0x3FFC];
	_ =	sdelay $0x3  }
0x94: {  	_ =	strace s3  }
0x95: {  	s3 =	sld [smem:$0x3FFD];
	_ =	sdelay $0x3  }
0x96: {  	_ =	strace s3  }
0x97: {  	_ =	strace $0x8FFFFFFF  }
0x98: {  	s19 =	sld [smem:$0x3FDB];
	_ =	sdelay $0x1  }
0x99: {  	s4 =	simm.s32 $_scs_section_size  }
0x9a: {  	s5 =	simm.s32 $_size__tile_overlayer_lowered;
	s6 =	simm.s32 $_tile_overlayer_lowered  }
0x9b: {  	s22 =	simm.s32 $0x1BFF;
	s21 =	sshll.u32 s6, $0x1;
	s3 =	sadd.s32 s4, s19  }
0x9c: {  	s7 =	simm.s32 $0x0;
	s20 =	sshll.u32 s5, $0x1;
	s5 =	sadd.s32 s21, s3  }
0x9d: {  	[timem:s7], [sflag:s22] =	dma.local [hbm:s5], s20  }
0x9e: {  	_ =	swait.ge [sflag:s22], s20  }
0x9f: {  	s4 =	ssub.s32 $0x0, s20;
	[sflag:s22] =	ssyncset.done $0x0  }
0xa0: {  	[sflag:s22] =	ssyncadd.s32 s4;
	_ =	sdelay $0x1  }
0xa1: {  	s23 =	simm.s32 $0x1B8B  }
0xa2: {  	_ =	swait.ge [sflag:s23], $0x1  }
0xa3: {  	[sflag:s23] =	ssyncset.done $0x0  }
0xa4: {  	s25 =	simm.s32 $0x1B8E;
	s24 =	sld [smem:$0x3FFE];
	[sflag:s23] =	ssyncadd.s32 $0xFFFFFFFF  }
0xa5: {  	s26 =	simm.s32 $execute0_lowered;
	[smem:$0x3FD2] =	sst s25  }
0xa6: {  	s5 =	sshll.u32 s26, $0x1;
	_ =	strace $0x80000046;
	[dreg:$0x1] =	wrdreg $0xFFFFFFFF  }
0xa7: {  	s28 =	simm.s32 $_size_execute0_lowered;
	s3 =	sadd.s32 s3, s5;
	[dreg:$0x0] =	wrdreg $0x0  }
0xa8: {  	s5 =	sshll.u32 s28, $0x1;
	[dreg:$0x2] =	wrdreg s3  }
0xa9: {  	[dreg:$0x3] =	wrdreg s5  }
0xaa: {  	[dreg:$0x4] =	wrdreg $0xC0  }
0xab: {  	_ =	task [dreg:s7], $0x5FFFF  }
0xac: {  	[dreg:$0x1] =	wrdreg $0xFFFFFFFF  }
0xad: {  	[dreg:$0x0] =	wrdreg $0x60  }
0xae: {  	[dreg:$0x2] =	wrdreg s2  }
0xaf: {  	[dreg:$0x3] =	wrdreg s24  }
0xb0: {  	[dreg:$0x4] =	wrdreg $0x2F800  }
0xb1: {  	[dreg:$0x5] =	wrdreg $0x9  }
0xb2: {  	_ =	task.clear_ibuf [dreg:s7], $0x6FFFF;
	_ =	strace $0x90000046  }
0xb3: {  	s29 =	simm.s32 $0x9;
	_ =	strace $0x80000048  }
0xb4: {  	_ =	swait.ge [sflag:s29], $0x1  }
0xb5: {  	[sflag:s29] =	ssyncadd.s32 $0xFFFFFFFF  }
0xb6: {  	_ =	strace $0x90000048  }
0xb7: {  	_ =	sfence  }
0xb8: {  	s30 =	sld [smem:$0x0];
	_ =	sdelay $0x2  }
0xb9: {  	s31 =	sshll.u32 s1, $0xD;
	s1 =	sshrl.u32 s1, $0x2  }
0xba: {  	s3 =	sand.u32 $0x4000, s31;
	s1 =	sadd.s32 s1, s30  }
0xbb: {  	s0 =	sor.u32 s3, s0;
	s1 =	sshll.u32 s1, $0x11  }
0xbc: {  	s0 =	sor.u32 s1, s0  }
0xbd: {  	s0 =	sadd.s32 $0x8F2B, s0  }
0xbe: {  	[sflag:s0] =	ssyncadd.remote.s32 $0x1  }
0xbf: {  	_ =	sfence.sel $0xFFFF  }
0xc0: {  	[dreg:$0x0] =	wrdreg $0xFFFFFFFF;
	(pc) =	sbr.abs _section_cstart, $3  }
0xc1: {  	[dreg:$0x1] =	wrdreg $0xFFFFFFFF  }
0xc2: {  	_ =	task.clear_ibuf [dreg:s7], $0x2FFFF;
	_ =	strace $0x9FFFFFFF  }
0xc3: {  	(tm) =	ssettm $0x7FFFFFFF  }
tec
execute0_lowered:
.L_overlay_start_1:
0x0: {  	(tag) =	ssettag $0x1  }
0x1: {  	s7 =	rddreg [dreg:$0x0]  }
0x2: {  	s5 =	rddreg [dreg:$0x1]  }
0x3: {  	s2 =	rddreg [dreg:$0x2]  }
0x4: {  	s0 =	stileid.u32;
	s4 =	srdreg.scid  }
0x5: {  	s1 =	rddreg [dreg:$0x3];
	s3 =	simm.s32 $0x0;
	s13 =	simm.s32 $0x80  }
0x6: {  	s15 =	simm.s32 $0x2;
	s16 =	simm.s32 $0x0;
	s6 =	smul.u32 $0x2780, s0  }
0x7: {  	s8 =	sand.u32 $0x1, s4;
	[smem:$0x7FF] =	sst s3;
	s4 =	sadd.s32 $0x1600, s5  }
0x8: {  	s11 =	sshll.u32 s0, $0x1;
	s14 =	sshll.u32 s0, $0x6;
	s9 =	smul.u32 $0x27800, s8  }
0x9: {  	_ =	strace $0x80000047;
	s12 =	ssub.s32 $0x2, s8;
	s8 =	sor.u32 s8, s11  }
0xa: {  	s11 =	simm.s32 $0x2780;
	s28 =	sshrl.u32 s6, $0x3;
	s29 =	sshrl.u32 s12, $0x1  }
0xb: {  	s8 =	smul.u32 $0x4F0, s8;
	s31 =	sadd.s32 s6, s2;
	s10 =	sadd.s32 s28, s5  }
0xc: {  	s9 =	sadd.s32 s6, s9;
	s30 =	ssub.s32 s12, s29;
	s6 =	sor.u32 $0x1C01, s14  }
0xd: {  	s12 =	simm.s32 $0x1;
	s14 =	sor.u32 $0x1C02, s14;
	s9 =	sshrl.u32 s9, $0x3  }
0xe: {  	s7 =	sadd.s32 s7, s8;
	s9 =	sadd.s32 s9, s5;
	s5 =	sadd.s32 $0x1800, s10  }
0xf: {  	s10 =	sshrl.u32 s31, $0x3;
	s8 =	sadd.s32 $0x6800, s9;
	s9 =	smax.u32 s30, $0x1  }
.LBB2_1:
0x10: {  	[spmem:s10], [sflag:s6] =	dma.local [hbm:s5], $0x4F0  }
0x11: {  	[tilespmem:s11], [sflag:$0x1] =	stream.linear.gather [hbm4b:s4+s3], $0x800, $0x38;
	[tilespmem:$0x5700] =	vst v63  }
0x12: {  	_ = 	snop  }
0x13: {  	[tilespmem:s3], [sflag:$0x1] =	stream.linear.gather [hbm4b:s7+s3], $0x2780, $0x38;
	[tilespmem:$0x5700] =	vst v63  }
0x14: {  	_ =	swait.ge [sflag:s12], $0x4F0  }
0x15: {  	[sflag:s12] =	ssyncset.done $0x0  }
0x16: {  	[sflag:s12] =	ssyncadd.s32 $0xFFFFFB10  }
0x17: {  	_ =	swait.ge [sflag:s12], $0x800  }
0x18: {  	[sflag:s12] =	ssyncset.done $0x0  }
0x19: {  	[sflag:s12] =	ssyncadd.s32 $0xFFFFF800  }
0x1a: {  	_ =	swait.ge [sflag:s12], $0x2780  }
0x1b: {  	[sflag:s12] =	ssyncset.done $0x0  }
0x1c: {  	[sflag:s12] =	ssyncadd.s32 $0xFFFFD880  }
0x1d: {  	s17 =	simm.s32 $0x0;
	[bflag:$0x0] =	sbarrier.arrive $0xFFFF  }
.LBB2_2:
0x1e: {  	p0 =	sne.s32 s17, $0x9C00  }
.Ltmp0:
0x1f: {  	_ = 	snop;
	(pc) =	sbr.rel @p0 .LBB2_2-.Ltmp0, $3  }
0x20: {  	_ =	sdelay $0x1  }
0x21: {  	s18 =	sshra.s32 s17, $0x2;
	s17 =	sadd.s32 $0x200, s17  }
0x22: {  	[spmem:s2] =	stream.indirect.scatter.add.f32 [tilespmem:s11], [sflag:$0x1], $0x10, s18, s13, $0xb8;
	[tilespmem:$0x5700] =	vst v63  }
0x23: {  	_ =	swait.ge [sflag:s12], $0x800  }
0x24: {  	s17 =	simm.s32 $0x4E;
	[sflag:s12] =	ssyncset.done $0x0  }
.LBB2_4:
0x25: {  	p0 =	sne.s32 s17, $0x1;
	s17 =	sadd.s32 $0xFFFFFFFF, s17;
	[sflag:s12] =	ssyncadd.s32 $0xFFFFF800  }
.Ltmp1:
0x26: {  	(pc) =	sbr.rel @p0 .LBB2_4-.Ltmp1, $3  }
0x27: {  	_ =	sdelay $0x1  }
0x28: {  	_ =	swait.ge [sflag:s12], $0x800  }
0x29: {  	[sflag:s12] =	ssyncset.done $0x0  }
0x2a: {  	s16 =	sadd.s32 $0x1, s16  }
0x2b: {  	[sflag:s12] =	ssyncadd.s32 $0xFFFFF800;
	p0 =	sne.s32 s16, s9  }
.Ltmp2:
0x2c: {  	[bflag:$0x0] =	sbarrier.arrive $0xFFFF;
	(pc) =	sbr.rel @p0 .LBB2_1-.Ltmp2, $4  }
0x2d: {  	[hbm:s8], [sflag:s14] =	dma.local [spmem:s10], $0x4F0  }
0x2e: {  	_ =	swait.ge [sflag:s15], $0x4F0  }
0x2f: {  	[sflag:s15] =	ssyncset.done $0x0  }
0x30: {  	[sflag:s15] =	ssyncadd.s32 $0xFFFFFB10  }
0x31: {  	_ =	sfence.sel $0x180000  }
0x32: {  	[bflag:$0x0] =	sbarrier.arrive $0xFFFF  }
0x33: {  	p0 =	sne.s32 s0, $0x0;
	_ =	strace $0x90000047  }
0x34: {  	s0 =	sadd.s32 @!p0 $0x100000, s1;
	[bflag:$0x2] =	sbarrier.arrive $0xFFFF  }
0x35: {  	[sflag:s0] =	ssyncadd.tile.s32 @!p0 $0x1;
	_ =	shalt  }
.Lfunc_end2:
_tile_overlayer_lowered:
.L_overlay_start_2:
0x36: {  	(tag) =	ssettag $0x2  }
0x37: {  	s0 =	rddreg [dreg:$0x0];
	s2 =	stileid.u32  }
0x38: {  	s1 =	rddreg [dreg:$0x1];
	p0 =	sne.s32 s2, $0x0  }
0x39: {  	s3 =	rddreg [dreg:$0x2];
	[bflag:$0x3] =	sbarrier.arrive $0xFFFF;
	s2 =	simm.s32 @!p0 $0x1C02  }
0x3a: {  	[timem:s3], [sflag:s2] =	dma.local @!p0 [hbm:s0], s1  }
0x3b: {  	s0 =	simm.s32 @!p0 $0x2  }
0x3c: {  	_ =	swait.ge @!p0 [sflag:s0], s1  }
0x3d: {  	s1 =	ssub.s32 @!p0 $0x0, s1;
	[sflag:s0] =	ssyncset.done @!p0 $0x0  }
0x3e: {  	[sflag:s0] =	ssyncadd.s32 @!p0 s1  }
0x3f: {  	[bflag:$0x3] =	sbarrier.arrive $0xFFFF  }
0x40: {  	_ =	shalt  }

</sc_bundles>
